<compile_context>
chip_gen: v7x
topology: tpu7x:2x2x1
jax: 0.10.2.dev20260603
libtpu: 0.0.44.dev20260713+nightly
codegen_flags: <defaults>
</compile_context>

<pallas_src>
import functools

import jax
import jax.numpy as jnp
from jax import lax
from jax.experimental import pallas as pl
from jax.experimental.pallas import tpu as pltpu
from jax.experimental.pallas import tpu_sc as plsc

N = 10000
E = 320000
D = 128
OUT = 64

NC = 2
NS = 16
NW = NC * NS
EPW = E // NW
K = 128
CH = 78
EW = CH * K
XB = NW * CH
NP = 10240
RPT = NP // NS
RPT2 = RPT // 2
QS = 2048.0

_mesh = plsc.VectorSubcoreMesh(core_axis_name="c", subcore_axis_name="s")



@functools.partial(
    pl.kernel,
    out_type=jax.ShapeDtypeStruct((NW, N), jnp.float32),
    mesh=_mesh,
    scratch_types=[
        pltpu.VMEM((2, EW), jnp.int32),
        pltpu.VMEM((2, K), jnp.int32),
        pltpu.VMEM((N,), jnp.float32),
    ],
    compiler_params=pltpu.CompilerParams(needs_layout_passes=False),
)
def _deg_kernel(ei_hbm, degp_hbm, stg_v, ext_v, deg_v):
    wid = lax.axis_index("s") * NC + lax.axis_index("c")
    pltpu.sync_copy(ei_hbm.at[:, pl.ds(wid * EW, EW)], stg_v)

    @pl.when(wid >= 28)
    def _():
        xt = XB + wid - 28
        pltpu.sync_copy(ei_hbm.at[:, pl.ds(xt * K, K)], ext_v)

    zeros = jnp.zeros((16,), jnp.float32)

    def zero_body(i, carry):
        deg_v[pl.ds(i * 16, 16)] = zeros
        return carry

    lax.fori_loop(0, N // 16, zero_body, 0)

    ones = jnp.ones((16,), jnp.float32)

    def count_body(i, carry):
        idx = stg_v[1, pl.ds(i * 16, 16)]
        plsc.addupdate_scatter(deg_v, [idx], ones)
        return carry

    lax.fori_loop(0, EW // 16, count_body, 0)

    @pl.when(wid >= 28)
    def _():
        def xcount(i, carry):
            idx = ext_v[1, pl.ds(i * 16, 16)]
            plsc.addupdate_scatter(deg_v, [idx], ones)
            return carry

        lax.fori_loop(0, K // 16, xcount, 0)

    pltpu.sync_copy(deg_v, degp_hbm.at[wid])



@functools.partial(
    pl.kernel,
    out_type=jax.ShapeDtypeStruct((NC, NP, D), jnp.int16),
    mesh=_mesh,
    scratch_types=[
        pltpu.VMEM((2, EW), jnp.int32),
        pltpu.VMEM((2, K), jnp.int32),
        pltpu.VMEM((K, D), jnp.int16),
        pltpu.VMEM((K, D), jnp.int16),
        pltpu.VMEM((K, D), jnp.int16),
        pltpu.VMEM_SHARED((NP, D), jnp.int16),
        pltpu.SemaphoreType.DMA,
        pltpu.SemaphoreType.DMA,
        pltpu.SemaphoreType.DMA,
    ],
    compiler_params=pltpu.CompilerParams(use_tc_tiling_on_sc=False),
)
def _scatter_kernel(q_hbm, ei_hbm, zeros_hbm, acc_hbm,
                    stg_v, ext_v, rows0, rows1, rows2, acc_sp,
                    sem0, sem1, sem2):
    cid = lax.axis_index("c")
    sid = lax.axis_index("s")
    wid = sid * NC + cid

    pltpu.sync_copy(ei_hbm.at[:, pl.ds(wid * EW, EW)], stg_v)

    @pl.when(wid >= 28)
    def _():
        xt = XB + wid - 28
        pltpu.sync_copy(ei_hbm.at[:, pl.ds(xt * K, K)], ext_v)

    pltpu.sync_copy(zeros_hbm, acc_sp.at[pl.ds(sid * RPT, RPT)])
    plsc.subcore_barrier()

    def src_ix(j):
        return stg_v.at[0, pl.ds(j * K, K)]

    def scat(rows, j):
        pltpu.sync_copy(rows, acc_sp.at[stg_v.at[1, pl.ds(j * K, K)]],
                        add=True)

    def gath(j, rows, sem):
        pltpu.async_copy(q_hbm.at[src_ix(j)], rows, sem)

    def drain(j, rows, sem):
        pltpu.make_async_copy(q_hbm.at[src_ix(j)], rows, sem).wait()
        scat(rows, j)

    gath(0, rows0, sem0)
    gath(1, rows1, sem1)

    def trip_body(t, carry):
        j = 3 * t
        gath(j + 2, rows2, sem2)
        drain(j, rows0, sem0)
        gath(j + 3, rows0, sem0)
        drain(j + 1, rows1, sem1)
        gath(j + 4, rows1, sem1)
        drain(j + 2, rows2, sem2)
        return carry

    lax.fori_loop(0, CH // 3 - 1, trip_body, 0)

    gath(CH - 1, rows2, sem2)
    drain(CH - 3, rows0, sem0)
    drain(CH - 2, rows1, sem1)
    drain(CH - 1, rows2, sem2)

    @pl.when(wid >= 28)
    def _():
        pltpu.async_copy(q_hbm.at[ext_v.at[0]], rows0, sem0)
        pltpu.make_async_copy(q_hbm.at[ext_v.at[0]], rows0, sem0).wait()
        pltpu.sync_copy(rows0, acc_sp.at[ext_v.at[1]], add=True)

    plsc.subcore_barrier()
    pltpu.sync_copy(acc_sp.at[pl.ds(sid * RPT, RPT)],
                    acc_hbm.at[cid, pl.ds(sid * RPT, RPT)])



def _scale_body(x_ref, degp_ref, q_ref):
    deg = jnp.sum(degp_ref[...], axis=0) + 1.0
    dis = lax.rsqrt(deg)
    q = x_ref[...] * dis[:, None]
    q_ref[...] = lax.round(q * QS).astype(jnp.int16)


def _scale(x, degp, bm=2048):
    grid = (pl.cdiv(N, bm),)
    return pl.pallas_call(
        _scale_body,
        grid=grid,
        in_specs=[
            pl.BlockSpec((bm, D), lambda i: (i, 0)),
            pl.BlockSpec((NW, bm), lambda i: (0, i)),
        ],
        out_specs=pl.BlockSpec((bm, D), lambda i: (i, 0)),
        out_shape=jax.ShapeDtypeStruct((N, D), jnp.int16),
    )(x, degp)



def _head_body(a_ref, q_ref, degp_ref, w2_ref, b2_ref, wc_ref, bc_ref, o_ref):
    deg = jnp.sum(degp_ref[...], axis=0) + 1.0
    dis = lax.rsqrt(deg)
    asum = a_ref[0] + a_ref[1] + q_ref[...].astype(jnp.float32)
    agg = asum * (dis * (1.0 / QS))[:, None]
    h = jnp.dot(agg, w2_ref[...], preferred_element_type=jnp.float32) \
        + b2_ref[...]
    t = jnp.maximum(h, 0.0)
    o_ref[...] = jnp.dot(t, wc_ref[...], preferred_element_type=jnp.float32) \
        + bc_ref[...]


def _head(accs, q, degp, W2, b2, Wc, bc, bm=2048):
    grid = (pl.cdiv(N, bm),)
    return pl.pallas_call(
        _head_body,
        grid=grid,
        in_specs=[
            pl.BlockSpec((NC, bm, D), lambda i: (0, i, 0)),
            pl.BlockSpec((bm, D), lambda i: (i, 0)),
            pl.BlockSpec((NW, bm), lambda i: (0, i)),
            pl.BlockSpec((D, D), lambda i: (0, 0)),
            pl.BlockSpec((1, D), lambda i: (0, 0)),
            pl.BlockSpec((D, OUT), lambda i: (0, 0)),
            pl.BlockSpec((1, OUT), lambda i: (0, 0)),
        ],
        out_specs=pl.BlockSpec((bm, OUT), lambda i: (i, 0)),
        out_shape=jax.ShapeDtypeStruct((N, OUT), jnp.float32),
    )(accs, q, degp, W2, b2, Wc, bc)



def kernel(x, edge_index, W2, b2, Wc, bc):
    zeros = jnp.zeros((RPT, D), jnp.int16)

    degp = _deg_kernel(edge_index)
    q = _scale(x, degp)
    accs = _scatter_kernel(q, edge_index, zeros)
    accs_f = accs.astype(jnp.float32)
    return _head(accs_f, q, degp, W2, b2.reshape(1, D), Wc,
                 bc.reshape(1, OUT))

# --- scband reference (transcript-rebuilt; emitter-appended) ---
"""Pipeline reference for scband-gcntail-48936857370857 (READ-ONLY COPY).

The authoritative reference and input builder live on the scoring server;
editing this copy changes nothing except your own understanding.
"""

import jax, jax.numpy as jnp
import numpy as np

N = 10000
E = 320000
D = 128
OUT = 64


def setup_inputs(seed: int = 0) -> dict:
    key = jax.random.key(seed)
    k1, k2, k3, k4 = jax.random.split(key, 4)
    x = jax.random.normal(k1, (N, D), dtype=jnp.float32)
    edge_index = jax.random.randint(k2, (2, E), 0, N, dtype=jnp.int32)
    W2 = jax.random.normal(k3, (D, D), dtype=jnp.float32) * 0.05
    b2 = jnp.zeros((D,), dtype=jnp.float32)
    Wc = jax.random.normal(k4, (D, OUT), dtype=jnp.float32) * 0.05
    bc = jnp.zeros((OUT,), dtype=jnp.float32)
    return {"x": x, "edge_index": edge_index, "W2": W2, "b2": b2, "Wc": Wc, "bc": bc}


def _gcn_conv(x, src, dst, W, b):
    # PyG-style GCNConv with symmetric normalization (self-loops already appended).
    h = x @ W
    deg = jnp.zeros((N,), dtype=x.dtype).at[dst].add(1.0)
    dis = jax.lax.rsqrt(deg)  # deg >= 1 because of self-loops
    norm = dis[src] * dis[dst]
    out = jnp.zeros((N, W.shape[1]), dtype=x.dtype).at[dst].add(norm[:, None] * h[src])
    return out + b


def reference(x, edge_index, W2, b2, Wc, bc):
    # cut == 'c1': one GCN layer + relu + (dropout identity in eval) + linear classifier
    loop = jnp.arange(N, dtype=edge_index.dtype)
    src = jnp.concatenate([edge_index[0], loop])
    dst = jnp.concatenate([edge_index[1], loop])
    h = _gcn_conv(x, src, dst, W2, b2)
    h = jax.nn.relu(h)
    return h @ Wc + bc

if __name__ == "__main__":
    import jax
    _d = setup_inputs()
    print(jax.jit(kernel)(*tuple(_d.values())))

</pallas_src>

<mosaic_0001>
#map = affine_map<(d0, d1) -> (0, 0)>
module attributes {stable_mosaic.version = 14 : i64} {
  func.func @_deg_kernel(%arg0: i32, %arg1: i32, %arg2: memref<2x320000xi32, #tpu.memory_space<hbm>>, %arg3: memref<32x10000xf32, #tpu.memory_space<hbm>>, %arg4: memref<2x9984xi32, #tpu.memory_space<vmem>>, %arg5: memref<2x128xi32, #tpu.memory_space<vmem>>, %arg6: memref<10000xf32, #tpu.memory_space<vmem>>) attributes {dimension_semantics = [#tpu.dimension_semantics<core_parallel>, #tpu.dimension_semantics<subcore_parallel>], iteration_bounds = array<i64: 2, 16>, scalar_prefetch = 0 : i64, scratch_operands = 3 : i64, tpu.core_type = #tpu.core_type<sc_vector_subcore>, window_params = [{transform_indices = #map}, {transform_indices = #map}]} {
    %mul3A = arith.constant 2 : i32
    %mul3A_0 = arith.muli %arg1, %mul3A : i32
    %add3A = arith.addi %mul3A_0, %arg0 : i32
    %mul3A_1 = arith.constant 9984 : i32
    %mul3A_2 = arith.muli %add3A, %mul3A_1 : i32
    "tpu.region"() ({
      %run_scoped3A = tpu.sem_alloc : memref<!tpu.dma_semaphore, #tpu.memory_space<semaphore_mem>>
      %dma_start3A = arith.constant 0 : i32
      %dma_start3A_24 = tpu.memref_slice %arg2[%dma_start3A, %mul3A_2] : memref<2x320000xi32, #tpu.memory_space<hbm>> -> memref<2x9984xi32, #tpu.memory_space<hbm>>
      %dma_start3A_25 = arith.constant 0 : i32
      %dma_start3A_26 = tpu.memref_slice %arg2[%dma_start3A_25, %mul3A_2] : memref<2x320000xi32, #tpu.memory_space<hbm>> -> memref<2x9984xi32, #tpu.memory_space<hbm>>
      tpu.enqueue_dma source(%dma_start3A_26 : memref<2x9984xi32, #tpu.memory_space<hbm>>) target(%arg4 : memref<2x9984xi32, #tpu.memory_space<vmem>>) target_semaphore(%run_scoped3A : memref<!tpu.dma_semaphore, #tpu.memory_space<semaphore_mem>>)
      %dma_wait3A = arith.constant 0 : i32
      %dma_wait3A_27 = tpu.memref_slice %arg2[%dma_wait3A, %mul3A_2] : memref<2x320000xi32, #tpu.memory_space<hbm>> -> memref<2x9984xi32, #tpu.memory_space<hbm>>
      %dma_wait3A_28 = arith.constant 0 : i32
      %dma_wait3A_29 = tpu.memref_slice %arg2[%dma_wait3A_28, %mul3A_2] : memref<2x320000xi32, #tpu.memory_space<hbm>> -> memref<2x9984xi32, #tpu.memory_space<hbm>>
      tpu.wait_dma2 semaphore(%run_scoped3A : memref<!tpu.dma_semaphore, #tpu.memory_space<semaphore_mem>>) src(%dma_wait3A_29 : memref<2x9984xi32, #tpu.memory_space<hbm>>) dst(%arg4 : memref<2x9984xi32, #tpu.memory_space<vmem>>)
      tpu.yield
    }) : () -> ()
    %ge3A = arith.constant 28 : i32
    %ge3A_3 = arith.cmpi sge, %add3A, %ge3A : i32
    %convert_element_type3A = arith.extui %ge3A_3 : i1 to i32
    %cond3A = arith.constant 0 : i32
    %cond3A_4 = arith.cmpi ne, %convert_element_type3A, %cond3A : i32
    scf.if %cond3A_4 {
      %add3A_24 = arith.constant 2496 : i32
      %add3A_25 = arith.addi %add3A_24, %add3A : i32
      %sub3A = arith.constant 28 : i32
      %sub3A_26 = arith.subi %add3A_25, %sub3A : i32
      %mul3A_27 = arith.constant 128 : i32
      %mul3A_28 = arith.muli %sub3A_26, %mul3A_27 : i32
      "tpu.region"() ({
        %run_scoped3A = tpu.sem_alloc : memref<!tpu.dma_semaphore, #tpu.memory_space<semaphore_mem>>
        %dma_start3A = arith.constant 0 : i32
        %dma_start3A_29 = tpu.memref_slice %arg2[%dma_start3A, %mul3A_28] : memref<2x320000xi32, #tpu.memory_space<hbm>> -> memref<2x128xi32, #tpu.memory_space<hbm>>
        %dma_start3A_30 = arith.constant 0 : i32
        %dma_start3A_31 = tpu.memref_slice %arg2[%dma_start3A_30, %mul3A_28] : memref<2x320000xi32, #tpu.memory_space<hbm>> -> memref<2x128xi32, #tpu.memory_space<hbm>>
        tpu.enqueue_dma source(%dma_start3A_31 : memref<2x128xi32, #tpu.memory_space<hbm>>) target(%arg5 : memref<2x128xi32, #tpu.memory_space<vmem>>) target_semaphore(%run_scoped3A : memref<!tpu.dma_semaphore, #tpu.memory_space<semaphore_mem>>)
        %dma_wait3A = arith.constant 0 : i32
        %dma_wait3A_32 = tpu.memref_slice %arg2[%dma_wait3A, %mul3A_28] : memref<2x320000xi32, #tpu.memory_space<hbm>> -> memref<2x128xi32, #tpu.memory_space<hbm>>
        %dma_wait3A_33 = arith.constant 0 : i32
        %dma_wait3A_34 = tpu.memref_slice %arg2[%dma_wait3A_33, %mul3A_28] : memref<2x320000xi32, #tpu.memory_space<hbm>> -> memref<2x128xi32, #tpu.memory_space<hbm>>
        tpu.wait_dma2 semaphore(%run_scoped3A : memref<!tpu.dma_semaphore, #tpu.memory_space<semaphore_mem>>) src(%dma_wait3A_34 : memref<2x128xi32, #tpu.memory_space<hbm>>) dst(%arg5 : memref<2x128xi32, #tpu.memory_space<vmem>>)
        tpu.yield
      }) : () -> ()
    } else {
    }
    %broadcast_in_dim3A = arith.constant 0.000000e+00 : f32
    %broadcast_in_dim3A_5 = vector.broadcast %broadcast_in_dim3A : f32 to vector<16xf32>
    %scan3A = arith.constant 0 : i32
    %scan3A_6 = arith.constant 0 : i32
    %scan3A_7 = arith.constant 625 : i32
    %scan3A_8 = arith.addi %scan3A_6, %scan3A_7 : i32
    %scan3A_9 = arith.constant 1 : i32
    scf.for %scan3A_24 = %scan3A_6 to %scan3A_8 step %scan3A_9  : i32 {
      %mul3A_25 = arith.constant 16 : i32
      %mul3A_26 = arith.muli %scan3A_24, %mul3A_25 : i32
      %swap3A = arith.index_cast %mul3A_26 : i32 to index
      %swap3A_27 = tpu.vector_load %arg6[%swap3A] {strides = array<i32>} : memref<10000xf32, #tpu.memory_space<vmem>>, vector<16xf32>,
      tpu.vector_store %arg6[%swap3A], %broadcast_in_dim3A_5 {strides = array<i32>} : memref<10000xf32, #tpu.memory_space<vmem>>, vector<16xf32>,
    }
    %scan3A_10 = arith.constant 625 : i32
    %broadcast_in_dim3A_11 = arith.constant 1.000000e+00 : f32
    %broadcast_in_dim3A_12 = vector.broadcast %broadcast_in_dim3A_11 : f32 to vector<16xf32>
    %scan3A_13 = arith.constant 0 : i32
    %scan3A_14 = arith.constant 0 : i32
    %scan3A_15 = arith.constant 624 : i32
    %scan3A_16 = arith.addi %scan3A_14, %scan3A_15 : i32
    %scan3A_17 = arith.constant 1 : i32
    scf.for %scan3A_24 = %scan3A_14 to %scan3A_16 step %scan3A_17  : i32 {
      %mul3A_25 = arith.constant 16 : i32
      %mul3A_26 = arith.muli %scan3A_24, %mul3A_25 : i32
      %get3A = arith.constant 1 : i32
      %get3A_27 = arith.index_cast %get3A : i32 to index
      %get3A_28 = arith.index_cast %mul3A_26 : i32 to index
      %get3A_29 = tpu.vector_load %arg4[%get3A_27, %get3A_28] {strides = array<i32>} : memref<2x9984xi32, #tpu.memory_space<vmem>>, vector<16xi32>,
      tpu.vector_store_idx %arg6[%get3A_29], %broadcast_in_dim3A_12 {add = true} : memref<10000xf32, #tpu.memory_space<vmem>>[vector<16xi32>], vector<16xf32>,
    }
    %scan3A_18 = arith.constant 624 : i32
    %ge3A_19 = arith.constant 28 : i32
    %ge3A_20 = arith.cmpi sge, %add3A, %ge3A_19 : i32
    %convert_element_type3A_21 = arith.extui %ge3A_20 : i1 to i32
    %cond3A_22 = arith.constant 0 : i32
    %cond3A_23 = arith.cmpi ne, %convert_element_type3A_21, %cond3A_22 : i32
    scf.if %cond3A_23 {
      %scan3A_24 = arith.constant 0 : i32
      %scan3A_25 = arith.constant 0 : i32
      %scan3A_26 = arith.constant 8 : i32
      %scan3A_27 = arith.addi %scan3A_25, %scan3A_26 : i32
      %scan3A_28 = arith.constant 1 : i32
      scf.for %scan3A_30 = %scan3A_25 to %scan3A_27 step %scan3A_28  : i32 {
        %mul3A_31 = arith.constant 16 : i32
        %mul3A_32 = arith.muli %scan3A_30, %mul3A_31 : i32
        %get3A = arith.constant 1 : i32
        %get3A_33 = arith.index_cast %get3A : i32 to index
        %get3A_34 = arith.index_cast %mul3A_32 : i32 to index
        %get3A_35 = tpu.vector_load %arg5[%get3A_33, %get3A_34] {strides = array<i32>} : memref<2x128xi32, #tpu.memory_space<vmem>>, vector<16xi32>,
        tpu.vector_store_idx %arg6[%get3A_35], %broadcast_in_dim3A_12 {add = true} : memref<10000xf32, #tpu.memory_space<vmem>>[vector<16xi32>], vector<16xf32>,
      }
      %scan3A_29 = arith.constant 8 : i32
    } else {
    }
    "tpu.region"() ({
      %run_scoped3A = tpu.sem_alloc : memref<!tpu.dma_semaphore, #tpu.memory_space<semaphore_mem>>
      %dma_start3A = arith.constant 0 : i32
      %dma_start3A_24 = tpu.memref_slice %arg3[%add3A, %dma_start3A] : memref<32x10000xf32, #tpu.memory_space<hbm>> -> memref<1x10000xf32, #tpu.memory_space<hbm>>
      %dma_start3A_25 = tpu.memref_squeeze %dma_start3A_24 : memref<1x10000xf32, #tpu.memory_space<hbm>> -> memref<10000xf32, #tpu.memory_space<hbm>>
      %dma_start3A_26 = arith.constant 0 : i32
      %dma_start3A_27 = tpu.memref_slice %arg3[%add3A, %dma_start3A_26] : memref<32x10000xf32, #tpu.memory_space<hbm>> -> memref<1x10000xf32, #tpu.memory_space<hbm>>
      %dma_start3A_28 = tpu.memref_squeeze %dma_start3A_27 : memref<1x10000xf32, #tpu.memory_space<hbm>> -> memref<10000xf32, #tpu.memory_space<hbm>>
      tpu.enqueue_dma source(%arg6 : memref<10000xf32, #tpu.memory_space<vmem>>) target(%dma_start3A_28 : memref<10000xf32, #tpu.memory_space<hbm>>) target_semaphore(%run_scoped3A : memref<!tpu.dma_semaphore, #tpu.memory_space<semaphore_mem>>)
      %dma_wait3A = arith.constant 0 : i32
      %dma_wait3A_29 = tpu.memref_slice %arg3[%add3A, %dma_wait3A] : memref<32x10000xf32, #tpu.memory_space<hbm>> -> memref<1x10000xf32, #tpu.memory_space<hbm>>
      %dma_wait3A_30 = tpu.memref_squeeze %dma_wait3A_29 : memref<1x10000xf32, #tpu.memory_space<hbm>> -> memref<10000xf32, #tpu.memory_space<hbm>>
      %dma_wait3A_31 = arith.constant 0 : i32
      %dma_wait3A_32 = tpu.memref_slice %arg3[%add3A, %dma_wait3A_31] : memref<32x10000xf32, #tpu.memory_space<hbm>> -> memref<1x10000xf32, #tpu.memory_space<hbm>>
      %dma_wait3A_33 = tpu.memref_squeeze %dma_wait3A_32 : memref<1x10000xf32, #tpu.memory_space<hbm>> -> memref<10000xf32, #tpu.memory_space<hbm>>
      tpu.wait_dma2 semaphore(%run_scoped3A : memref<!tpu.dma_semaphore, #tpu.memory_space<semaphore_mem>>) src(%arg6 : memref<10000xf32, #tpu.memory_space<vmem>>) dst(%dma_wait3A_33 : memref<10000xf32, #tpu.memory_space<hbm>>)
      tpu.yield
    }) : () -> ()
    return
  }
}

#map = affine_map<(d0, d1) -> (0, 0)>
#map1 = affine_map<(d0, d1) -> (0, 0, 0)>
module attributes {stable_mosaic.version = 14 : i64} {
  func.func @_scatter_kernel(%arg0: i32, %arg1: i32, %arg2: memref<10000x128xi16, #tpu.memory_space<hbm>>, %arg3: memref<2x320000xi32, #tpu.memory_space<hbm>>, %arg4: memref<640x128xi16, #tpu.memory_space<hbm>>, %arg5: memref<2x10240x128xi16, #tpu.memory_space<hbm>>, %arg6: memref<2x9984xi32, #tpu.memory_space<vmem>>, %arg7: memref<2x128xi32, #tpu.memory_space<vmem>>, %arg8: memref<128x128xi16, #tpu.memory_space<vmem>>, %arg9: memref<128x128xi16, #tpu.memory_space<vmem>>, %arg10: memref<128x128xi16, #tpu.memory_space<vmem>>, %arg11: memref<10240x128xi16, #tpu.memory_space<vmem_shared>>, %arg12: memref<!tpu.dma_semaphore, #tpu.memory_space<semaphore_mem>>, %arg13: memref<!tpu.dma_semaphore, #tpu.memory_space<semaphore_mem>>, %arg14: memref<!tpu.dma_semaphore, #tpu.memory_space<semaphore_mem>>) attributes {dimension_semantics = [#tpu.dimension_semantics<core_parallel>, #tpu.dimension_semantics<subcore_parallel>], iteration_bounds = array<i64: 2, 16>, scalar_prefetch = 0 : i64, scratch_operands = 9 : i64, tpu.core_type = #tpu.core_type<sc_vector_subcore>, window_params = [{transform_indices = #map}, {transform_indices = #map}, {transform_indices = #map}, {transform_indices = #map1}]} {
    %mul3A = arith.constant 2 : i32
    %mul3A_0 = arith.muli %arg1, %mul3A : i32
    %add3A = arith.addi %mul3A_0, %arg0 : i32
    %mul3A_1 = arith.constant 9984 : i32
    %mul3A_2 = arith.muli %add3A, %mul3A_1 : i32
    "tpu.region"() ({
      %run_scoped3A_64 = tpu.sem_alloc : memref<!tpu.dma_semaphore, #tpu.memory_space<semaphore_mem>>
      %dma_start3A_65 = arith.constant 0 : i32
      %dma_start3A_66 = tpu.memref_slice %arg3[%dma_start3A_65, %mul3A_2] : memref<2x320000xi32, #tpu.memory_space<hbm>> -> memref<2x9984xi32, #tpu.memory_space<hbm>>
      %dma_start3A_67 = arith.constant 0 : i32
      %dma_start3A_68 = tpu.memref_slice %arg3[%dma_start3A_67, %mul3A_2] : memref<2x320000xi32, #tpu.memory_space<hbm>> -> memref<2x9984xi32, #tpu.memory_space<hbm>>
      tpu.enqueue_dma source(%dma_start3A_68 : memref<2x9984xi32, #tpu.memory_space<hbm>>) target(%arg6 : memref<2x9984xi32, #tpu.memory_space<vmem>>) target_semaphore(%run_scoped3A_64 : memref<!tpu.dma_semaphore, #tpu.memory_space<semaphore_mem>>)
      %dma_wait3A_69 = arith.constant 0 : i32
      %dma_wait3A_70 = tpu.memref_slice %arg3[%dma_wait3A_69, %mul3A_2] : memref<2x320000xi32, #tpu.memory_space<hbm>> -> memref<2x9984xi32, #tpu.memory_space<hbm>>
      %dma_wait3A_71 = arith.constant 0 : i32
      %dma_wait3A_72 = tpu.memref_slice %arg3[%dma_wait3A_71, %mul3A_2] : memref<2x320000xi32, #tpu.memory_space<hbm>> -> memref<2x9984xi32, #tpu.memory_space<hbm>>
      tpu.wait_dma2 semaphore(%run_scoped3A_64 : memref<!tpu.dma_semaphore, #tpu.memory_space<semaphore_mem>>) src(%dma_wait3A_72 : memref<2x9984xi32, #tpu.memory_space<hbm>>) dst(%arg6 : memref<2x9984xi32, #tpu.memory_space<vmem>>)
      tpu.yield
    }) : () -> ()
    %ge3A = arith.constant 28 : i32
    %ge3A_3 = arith.cmpi sge, %add3A, %ge3A : i32
    %convert_element_type3A = arith.extui %ge3A_3 : i1 to i32
    %cond3A = arith.constant 0 : i32
    %cond3A_4 = arith.cmpi ne, %convert_element_type3A, %cond3A : i32
    scf.if %cond3A_4 {
      %add3A_64 = arith.constant 2496 : i32
      %add3A_65 = arith.addi %add3A_64, %add3A : i32
      %sub3A = arith.constant 28 : i32
      %sub3A_66 = arith.subi %add3A_65, %sub3A : i32
      %mul3A_67 = arith.constant 128 : i32
      %mul3A_68 = arith.muli %sub3A_66, %mul3A_67 : i32
      "tpu.region"() ({
        %run_scoped3A_69 = tpu.sem_alloc : memref<!tpu.dma_semaphore, #tpu.memory_space<semaphore_mem>>
        %dma_start3A_70 = arith.constant 0 : i32
        %dma_start3A_71 = tpu.memref_slice %arg3[%dma_start3A_70, %mul3A_68] : memref<2x320000xi32, #tpu.memory_space<hbm>> -> memref<2x128xi32, #tpu.memory_space<hbm>>
        %dma_start3A_72 = arith.constant 0 : i32
        %dma_start3A_73 = tpu.memref_slice %arg3[%dma_start3A_72, %mul3A_68] : memref<2x320000xi32, #tpu.memory_space<hbm>> -> memref<2x128xi32, #tpu.memory_space<hbm>>
        tpu.enqueue_dma source(%dma_start3A_73 : memref<2x128xi32, #tpu.memory_space<hbm>>) target(%arg7 : memref<2x128xi32, #tpu.memory_space<vmem>>) target_semaphore(%run_scoped3A_69 : memref<!tpu.dma_semaphore, #tpu.memory_space<semaphore_mem>>)
        %dma_wait3A_74 = arith.constant 0 : i32
        %dma_wait3A_75 = tpu.memref_slice %arg3[%dma_wait3A_74, %mul3A_68] : memref<2x320000xi32, #tpu.memory_space<hbm>> -> memref<2x128xi32, #tpu.memory_space<hbm>>
        %dma_wait3A_76 = arith.constant 0 : i32
        %dma_wait3A_77 = tpu.memref_slice %arg3[%dma_wait3A_76, %mul3A_68] : memref<2x320000xi32, #tpu.memory_space<hbm>> -> memref<2x128xi32, #tpu.memory_space<hbm>>
        tpu.wait_dma2 semaphore(%run_scoped3A_69 : memref<!tpu.dma_semaphore, #tpu.memory_space<semaphore_mem>>) src(%dma_wait3A_77 : memref<2x128xi32, #tpu.memory_space<hbm>>) dst(%arg7 : memref<2x128xi32, #tpu.memory_space<vmem>>)
        tpu.yield
      }) : () -> ()
    } else {
    }
    %mul3A_5 = arith.constant 640 : i32
    %mul3A_6 = arith.muli %arg1, %mul3A_5 : i32
    "tpu.region"() ({
      %run_scoped3A_64 = tpu.sem_alloc : memref<!tpu.dma_semaphore, #tpu.memory_space<semaphore_mem>>
      %dma_start3A_65 = arith.constant 0 : i32
      %dma_start3A_66 = tpu.memref_slice %arg11[%mul3A_6, %dma_start3A_65] : memref<10240x128xi16, #tpu.memory_space<vmem_shared>> -> memref<640x128xi16, #tpu.memory_space<vmem_shared>>
      tpu.enqueue_dma source(%arg4 : memref<640x128xi16, #tpu.memory_space<hbm>>) target(%dma_start3A_66 : memref<640x128xi16, #tpu.memory_space<vmem_shared>>) target_semaphore(%run_scoped3A_64 : memref<!tpu.dma_semaphore, #tpu.memory_space<semaphore_mem>>)
      %dma_wait3A_67 = arith.constant 0 : i32
      %dma_wait3A_68 = tpu.memref_slice %arg11[%mul3A_6, %dma_wait3A_67] : memref<10240x128xi16, #tpu.memory_space<vmem_shared>> -> memref<640x128xi16, #tpu.memory_space<vmem_shared>>
      tpu.wait_dma2 semaphore(%run_scoped3A_64 : memref<!tpu.dma_semaphore, #tpu.memory_space<semaphore_mem>>) src(%arg4 : memref<640x128xi16, #tpu.memory_space<hbm>>) dst(%dma_wait3A_68 : memref<640x128xi16, #tpu.memory_space<vmem_shared>>)
      tpu.yield
    }) : () -> ()
    %barrier3A = arith.constant 0 : index
    tpu.barrier barrier_id(%barrier3A)
    %dma_start3A = arith.constant 0 : i32
    %dma_start3A_7 = arith.constant 0 : i32
    %dma_start3A_8 = tpu.memref_slice %arg6[%dma_start3A, %dma_start3A_7] : memref<2x9984xi32, #tpu.memory_space<vmem>> -> memref<1x128xi32, #tpu.memory_space<vmem>>
    %dma_start3A_9 = tpu.memref_squeeze %dma_start3A_8 : memref<1x128xi32, #tpu.memory_space<vmem>> -> memref<128xi32, #tpu.memory_space<vmem>>
    %dma_start3A_10 = arith.constant 0 : i32
    %dma_start3A_11 = arith.constant 0 : i32
    %dma_start3A_12 = tpu.memref_slice %arg2[%dma_start3A_10, %dma_start3A_11] : memref<10000x128xi16, #tpu.memory_space<hbm>> -> memref<10000x128xi16, #tpu.memory_space<hbm>>
    tpu.enqueue_indirect_dma source(%dma_start3A_12 : memref<10000x128xi16, #tpu.memory_space<hbm>>) target(%arg8 : memref<128x128xi16, #tpu.memory_space<vmem>>) offsets(%dma_start3A_9 : memref<128xi32, #tpu.memory_space<vmem>>) semaphore(%arg12 : memref<!tpu.dma_semaphore, #tpu.memory_space<semaphore_mem>>)
    %dma_start3A_13 = arith.constant 0 : i32
    %dma_start3A_14 = arith.constant 128 : i32
    %dma_start3A_15 = tpu.memref_slice %arg6[%dma_start3A_13, %dma_start3A_14] : memref<2x9984xi32, #tpu.memory_space<vmem>> -> memref<1x128xi32, #tpu.memory_space<vmem>>
    %dma_start3A_16 = tpu.memref_squeeze %dma_start3A_15 : memref<1x128xi32, #tpu.memory_space<vmem>> -> memref<128xi32, #tpu.memory_space<vmem>>
    %dma_start3A_17 = arith.constant 0 : i32
    %dma_start3A_18 = arith.constant 0 : i32
    %dma_start3A_19 = tpu.memref_slice %arg2[%dma_start3A_17, %dma_start3A_18] : memref<10000x128xi16, #tpu.memory_space<hbm>> -> memref<10000x128xi16, #tpu.memory_space<hbm>>
    tpu.enqueue_indirect_dma source(%dma_start3A_19 : memref<10000x128xi16, #tpu.memory_space<hbm>>) target(%arg9 : memref<128x128xi16, #tpu.memory_space<vmem>>) offsets(%dma_start3A_16 : memref<128xi32, #tpu.memory_space<vmem>>) semaphore(%arg13 : memref<!tpu.dma_semaphore, #tpu.memory_space<semaphore_mem>>)
    %scan3A = arith.constant 0 : i32
    %scan3A_20 = arith.constant 0 : i32
    %scan3A_21 = arith.constant 25 : i32
    %scan3A_22 = arith.addi %scan3A_20, %scan3A_21 : i32
    %scan3A_23 = arith.constant 1 : i32
    scf.for %scan3A_64 = %scan3A_20 to %scan3A_22 step %scan3A_23  : i32 {
      %mul3A_65 = arith.constant 3 : i32
      %mul3A_66 = arith.muli %mul3A_65, %scan3A_64 : i32
      %add3A_67 = arith.constant 2 : i32
      %add3A_68 = arith.addi %mul3A_66, %add3A_67 : i32
      %mul3A_69 = arith.constant 128 : i32
      %mul3A_70 = arith.muli %add3A_68, %mul3A_69 : i32
      %dma_start3A_71 = arith.constant 0 : i32
      %dma_start3A_72 = tpu.memref_slice %arg6[%dma_start3A_71, %mul3A_70] : memref<2x9984xi32, #tpu.memory_space<vmem>> -> memref<1x128xi32, #tpu.memory_space<vmem>>
      %dma_start3A_73 = tpu.memref_squeeze %dma_start3A_72 : memref<1x128xi32, #tpu.memory_space<vmem>> -> memref<128xi32, #tpu.memory_space<vmem>>
      %dma_start3A_74 = arith.constant 0 : i32
      %dma_start3A_75 = arith.constant 0 : i32
      %dma_start3A_76 = tpu.memref_slice %arg2[%dma_start3A_74, %dma_start3A_75] : memref<10000x128xi16, #tpu.memory_space<hbm>> -> memref<10000x128xi16, #tpu.memory_space<hbm>>
      tpu.enqueue_indirect_dma source(%dma_start3A_76 : memref<10000x128xi16, #tpu.memory_space<hbm>>) target(%arg10 : memref<128x128xi16, #tpu.memory_space<vmem>>) offsets(%dma_start3A_73 : memref<128xi32, #tpu.memory_space<vmem>>) semaphore(%arg14 : memref<!tpu.dma_semaphore, #tpu.memory_space<semaphore_mem>>)
      %mul3A_77 = arith.constant 128 : i32
      %mul3A_78 = arith.muli %mul3A_66, %mul3A_77 : i32
      %dma_wait3A_79 = arith.constant 0 : i32
      %dma_wait3A_80 = tpu.memref_slice %arg6[%dma_wait3A_79, %mul3A_78] : memref<2x9984xi32, #tpu.memory_space<vmem>> -> memref<1x128xi32, #tpu.memory_space<vmem>>
      %dma_wait3A_81 = tpu.memref_squeeze %dma_wait3A_80 : memref<1x128xi32, #tpu.memory_space<vmem>> -> memref<128xi32, #tpu.memory_space<vmem>>
      %dma_wait3A_82 = arith.constant 0 : i32
      %dma_wait3A_83 = arith.constant 0 : i32
      %dma_wait3A_84 = tpu.memref_slice %arg2[%dma_wait3A_82, %dma_wait3A_83] : memref<10000x128xi16, #tpu.memory_space<hbm>> -> memref<10000x128xi16, #tpu.memory_space<hbm>>
      tpu.wait_indirect_dma semaphore(%arg12 : memref<!tpu.dma_semaphore, #tpu.memory_space<semaphore_mem>>) src(%dma_wait3A_84 : memref<10000x128xi16, #tpu.memory_space<hbm>>) dst(%arg8 : memref<128x128xi16, #tpu.memory_space<vmem>>)
      %mul3A_85 = arith.constant 128 : i32
      %mul3A_86 = arith.muli %mul3A_66, %mul3A_85 : i32
      %run_scoped3A_87 = arith.constant 1 : i32
      "tpu.region"() ({
        %run_scoped3A_134 = tpu.sem_alloc : memref<!tpu.dma_semaphore, #tpu.memory_space<semaphore_mem>>
        %dma_start3A_135 = tpu.memref_slice %arg6[%run_scoped3A_87, %mul3A_86] : memref<2x9984xi32, #tpu.memory_space<vmem>> -> memref<1x128xi32, #tpu.memory_space<vmem>>
        %dma_start3A_136 = tpu.memref_squeeze %dma_start3A_135 : memref<1x128xi32, #tpu.memory_space<vmem>> -> memref<128xi32, #tpu.memory_space<vmem>>
        %dma_start3A_137 = arith.constant 0 : i32
        %dma_start3A_138 = arith.constant 0 : i32
        %dma_start3A_139 = tpu.memref_slice %arg11[%dma_start3A_137, %dma_start3A_138] : memref<10240x128xi16, #tpu.memory_space<vmem_shared>> -> memref<10240x128xi16, #tpu.memory_space<vmem_shared>>
        tpu.enqueue_indirect_dma source(%arg8 : memref<128x128xi16, #tpu.memory_space<vmem>>) target(%dma_start3A_139 : memref<10240x128xi16, #tpu.memory_space<vmem_shared>>) offsets(%dma_start3A_136 : memref<128xi32, #tpu.memory_space<vmem>>) semaphore(%run_scoped3A_134 : memref<!tpu.dma_semaphore, #tpu.memory_space<semaphore_mem>>) {add = true}
        %dma_wait3A_140 = tpu.memref_slice %arg6[%run_scoped3A_87, %mul3A_86] : memref<2x9984xi32, #tpu.memory_space<vmem>> -> memref<1x128xi32, #tpu.memory_space<vmem>>
        %dma_wait3A_141 = tpu.memref_squeeze %dma_wait3A_140 : memref<1x128xi32, #tpu.memory_space<vmem>> -> memref<128xi32, #tpu.memory_space<vmem>>
        %dma_wait3A_142 = arith.constant 0 : i32
        %dma_wait3A_143 = arith.constant 0 : i32
        %dma_wait3A_144 = tpu.memref_slice %arg11[%dma_wait3A_142, %dma_wait3A_143] : memref<10240x128xi16, #tpu.memory_space<vmem_shared>> -> memref<10240x128xi16, #tpu.memory_space<vmem_shared>>
        tpu.wait_indirect_dma semaphore(%run_scoped3A_134 : memref<!tpu.dma_semaphore, #tpu.memory_space<semaphore_mem>>) src(%arg8 : memref<128x128xi16, #tpu.memory_space<vmem>>) dst(%dma_wait3A_144 : memref<10240x128xi16, #tpu.memory_space<vmem_shared>>)
        tpu.yield
      }) : () -> ()
      %add3A_88 = arith.constant 3 : i32
      %add3A_89 = arith.addi %mul3A_66, %add3A_88 : i32
      %mul3A_90 = arith.constant 128 : i32
      %mul3A_91 = arith.muli %add3A_89, %mul3A_90 : i32
      %dma_start3A_92 = arith.constant 0 : i32
      %dma_start3A_93 = tpu.memref_slice %arg6[%dma_start3A_92, %mul3A_91] : memref<2x9984xi32, #tpu.memory_space<vmem>> -> memref<1x128xi32, #tpu.memory_space<vmem>>
      %dma_start3A_94 = tpu.memref_squeeze %dma_start3A_93 : memref<1x128xi32, #tpu.memory_space<vmem>> -> memref<128xi32, #tpu.memory_space<vmem>>
      %dma_start3A_95 = arith.constant 0 : i32
      %dma_start3A_96 = arith.constant 0 : i32
      %dma_start3A_97 = tpu.memref_slice %arg2[%dma_start3A_95, %dma_start3A_96] : memref<10000x128xi16, #tpu.memory_space<hbm>> -> memref<10000x128xi16, #tpu.memory_space<hbm>>
      tpu.enqueue_indirect_dma source(%dma_start3A_97 : memref<10000x128xi16, #tpu.memory_space<hbm>>) target(%arg8 : memref<128x128xi16, #tpu.memory_space<vmem>>) offsets(%dma_start3A_94 : memref<128xi32, #tpu.memory_space<vmem>>) semaphore(%arg12 : memref<!tpu.dma_semaphore, #tpu.memory_space<semaphore_mem>>)
      %add3A_98 = arith.constant 1 : i32
      %add3A_99 = arith.addi %mul3A_66, %add3A_98 : i32
      %mul3A_100 = arith.constant 128 : i32
      %mul3A_101 = arith.muli %add3A_99, %mul3A_100 : i32
      %dma_wait3A_102 = arith.constant 0 : i32
      %dma_wait3A_103 = tpu.memref_slice %arg6[%dma_wait3A_102, %mul3A_101] : memref<2x9984xi32, #tpu.memory_space<vmem>> -> memref<1x128xi32, #tpu.memory_space<vmem>>
      %dma_wait3A_104 = tpu.memref_squeeze %dma_wait3A_103 : memref<1x128xi32, #tpu.memory_space<vmem>> -> memref<128xi32, #tpu.memory_space<vmem>>
      %dma_wait3A_105 = arith.constant 0 : i32
      %dma_wait3A_106 = arith.constant 0 : i32
      %dma_wait3A_107 = tpu.memref_slice %arg2[%dma_wait3A_105, %dma_wait3A_106] : memref<10000x128xi16, #tpu.memory_space<hbm>> -> memref<10000x128xi16, #tpu.memory_space<hbm>>
      tpu.wait_indirect_dma semaphore(%arg13 : memref<!tpu.dma_semaphore, #tpu.memory_space<semaphore_mem>>) src(%dma_wait3A_107 : memref<10000x128xi16, #tpu.memory_space<hbm>>) dst(%arg9 : memref<128x128xi16, #tpu.memory_space<vmem>>)
      %mul3A_108 = arith.constant 128 : i32
      %mul3A_109 = arith.muli %add3A_99, %mul3A_108 : i32
      %run_scoped3A_110 = arith.constant 1 : i32
      "tpu.region"() ({
        %run_scoped3A_134 = tpu.sem_alloc : memref<!tpu.dma_semaphore, #tpu.memory_space<semaphore_mem>>
        %dma_start3A_135 = tpu.memref_slice %arg6[%run_scoped3A_110, %mul3A_109] : memref<2x9984xi32, #tpu.memory_space<vmem>> -> memref<1x128xi32, #tpu.memory_space<vmem>>
        %dma_start3A_136 = tpu.memref_squeeze %dma_start3A_135 : memref<1x128xi32, #tpu.memory_space<vmem>> -> memref<128xi32, #tpu.memory_space<vmem>>
        %dma_start3A_137 = arith.constant 0 : i32
        %dma_start3A_138 = arith.constant 0 : i32
        %dma_start3A_139 = tpu.memref_slice %arg11[%dma_start3A_137, %dma_start3A_138] : memref<10240x128xi16, #tpu.memory_space<vmem_shared>> -> memref<10240x128xi16, #tpu.memory_space<vmem_shared>>
        tpu.enqueue_indirect_dma source(%arg9 : memref<128x128xi16, #tpu.memory_space<vmem>>) target(%dma_start3A_139 : memref<10240x128xi16, #tpu.memory_space<vmem_shared>>) offsets(%dma_start3A_136 : memref<128xi32, #tpu.memory_space<vmem>>) semaphore(%run_scoped3A_134 : memref<!tpu.dma_semaphore, #tpu.memory_space<semaphore_mem>>) {add = true}
        %dma_wait3A_140 = tpu.memref_slice %arg6[%run_scoped3A_110, %mul3A_109] : memref<2x9984xi32, #tpu.memory_space<vmem>> -> memref<1x128xi32, #tpu.memory_space<vmem>>
        %dma_wait3A_141 = tpu.memref_squeeze %dma_wait3A_140 : memref<1x128xi32, #tpu.memory_space<vmem>> -> memref<128xi32, #tpu.memory_space<vmem>>
        %dma_wait3A_142 = arith.constant 0 : i32
        %dma_wait3A_143 = arith.constant 0 : i32
        %dma_wait3A_144 = tpu.memref_slice %arg11[%dma_wait3A_142, %dma_wait3A_143] : memref<10240x128xi16, #tpu.memory_space<vmem_shared>> -> memref<10240x128xi16, #tpu.memory_space<vmem_shared>>
        tpu.wait_indirect_dma semaphore(%run_scoped3A_134 : memref<!tpu.dma_semaphore, #tpu.memory_space<semaphore_mem>>) src(%arg9 : memref<128x128xi16, #tpu.memory_space<vmem>>) dst(%dma_wait3A_144 : memref<10240x128xi16, #tpu.memory_space<vmem_shared>>)
        tpu.yield
      }) : () -> ()
      %add3A_111 = arith.constant 4 : i32
      %add3A_112 = arith.addi %mul3A_66, %add3A_111 : i32
      %mul3A_113 = arith.constant 128 : i32
      %mul3A_114 = arith.muli %add3A_112, %mul3A_113 : i32
      %dma_start3A_115 = arith.constant 0 : i32
      %dma_start3A_116 = tpu.memref_slice %arg6[%dma_start3A_115, %mul3A_114] : memref<2x9984xi32, #tpu.memory_space<vmem>> -> memref<1x128xi32, #tpu.memory_space<vmem>>
      %dma_start3A_117 = tpu.memref_squeeze %dma_start3A_116 : memref<1x128xi32, #tpu.memory_space<vmem>> -> memref<128xi32, #tpu.memory_space<vmem>>
      %dma_start3A_118 = arith.constant 0 : i32
      %dma_start3A_119 = arith.constant 0 : i32
      %dma_start3A_120 = tpu.memref_slice %arg2[%dma_start3A_118, %dma_start3A_119] : memref<10000x128xi16, #tpu.memory_space<hbm>> -> memref<10000x128xi16, #tpu.memory_space<hbm>>
      tpu.enqueue_indirect_dma source(%dma_start3A_120 : memref<10000x128xi16, #tpu.memory_space<hbm>>) target(%arg9 : memref<128x128xi16, #tpu.memory_space<vmem>>) offsets(%dma_start3A_117 : memref<128xi32, #tpu.memory_space<vmem>>) semaphore(%arg13 : memref<!tpu.dma_semaphore, #tpu.memory_space<semaphore_mem>>)
      %add3A_121 = arith.constant 2 : i32
      %add3A_122 = arith.addi %mul3A_66, %add3A_121 : i32
      %mul3A_123 = arith.constant 128 : i32
      %mul3A_124 = arith.muli %add3A_122, %mul3A_123 : i32
      %dma_wait3A_125 = arith.constant 0 : i32
      %dma_wait3A_126 = tpu.memref_slice %arg6[%dma_wait3A_125, %mul3A_124] : memref<2x9984xi32, #tpu.memory_space<vmem>> -> memref<1x128xi32, #tpu.memory_space<vmem>>
      %dma_wait3A_127 = tpu.memref_squeeze %dma_wait3A_126 : memref<1x128xi32, #tpu.memory_space<vmem>> -> memref<128xi32, #tpu.memory_space<vmem>>
      %dma_wait3A_128 = arith.constant 0 : i32
      %dma_wait3A_129 = arith.constant 0 : i32
      %dma_wait3A_130 = tpu.memref_slice %arg2[%dma_wait3A_128, %dma_wait3A_129] : memref<10000x128xi16, #tpu.memory_space<hbm>> -> memref<10000x128xi16, #tpu.memory_space<hbm>>
      tpu.wait_indirect_dma semaphore(%arg14 : memref<!tpu.dma_semaphore, #tpu.memory_space<semaphore_mem>>) src(%dma_wait3A_130 : memref<10000x128xi16, #tpu.memory_space<hbm>>) dst(%arg10 : memref<128x128xi16, #tpu.memory_space<vmem>>)
      %mul3A_131 = arith.constant 128 : i32
      %mul3A_132 = arith.muli %add3A_122, %mul3A_131 : i32
      %run_scoped3A_133 = arith.constant 1 : i32
      "tpu.region"() ({
        %run_scoped3A_134 = tpu.sem_alloc : memref<!tpu.dma_semaphore, #tpu.memory_space<semaphore_mem>>
        %dma_start3A_135 = tpu.memref_slice %arg6[%run_scoped3A_133, %mul3A_132] : memref<2x9984xi32, #tpu.memory_space<vmem>> -> memref<1x128xi32, #tpu.memory_space<vmem>>
        %dma_start3A_136 = tpu.memref_squeeze %dma_start3A_135 : memref<1x128xi32, #tpu.memory_space<vmem>> -> memref<128xi32, #tpu.memory_space<vmem>>
        %dma_start3A_137 = arith.constant 0 : i32
        %dma_start3A_138 = arith.constant 0 : i32
        %dma_start3A_139 = tpu.memref_slice %arg11[%dma_start3A_137, %dma_start3A_138] : memref<10240x128xi16, #tpu.memory_space<vmem_shared>> -> memref<10240x128xi16, #tpu.memory_space<vmem_shared>>
        tpu.enqueue_indirect_dma source(%arg10 : memref<128x128xi16, #tpu.memory_space<vmem>>) target(%dma_start3A_139 : memref<10240x128xi16, #tpu.memory_space<vmem_shared>>) offsets(%dma_start3A_136 : memref<128xi32, #tpu.memory_space<vmem>>) semaphore(%run_scoped3A_134 : memref<!tpu.dma_semaphore, #tpu.memory_space<semaphore_mem>>) {add = true}
        %dma_wait3A_140 = tpu.memref_slice %arg6[%run_scoped3A_133, %mul3A_132] : memref<2x9984xi32, #tpu.memory_space<vmem>> -> memref<1x128xi32, #tpu.memory_space<vmem>>
        %dma_wait3A_141 = tpu.memref_squeeze %dma_wait3A_140 : memref<1x128xi32, #tpu.memory_space<vmem>> -> memref<128xi32, #tpu.memory_space<vmem>>
        %dma_wait3A_142 = arith.constant 0 : i32
        %dma_wait3A_143 = arith.constant 0 : i32
        %dma_wait3A_144 = tpu.memref_slice %arg11[%dma_wait3A_142, %dma_wait3A_143] : memref<10240x128xi16, #tpu.memory_space<vmem_shared>> -> memref<10240x128xi16, #tpu.memory_space<vmem_shared>>
        tpu.wait_indirect_dma semaphore(%run_scoped3A_134 : memref<!tpu.dma_semaphore, #tpu.memory_space<semaphore_mem>>) src(%arg10 : memref<128x128xi16, #tpu.memory_space<vmem>>) dst(%dma_wait3A_144 : memref<10240x128xi16, #tpu.memory_space<vmem_shared>>)
        tpu.yield
      }) : () -> ()
    }
    %scan3A_24 = arith.constant 25 : i32
    %dma_start3A_25 = arith.constant 0 : i32
    %dma_start3A_26 = arith.constant 9856 : i32
    %dma_start3A_27 = tpu.memref_slice %arg6[%dma_start3A_25, %dma_start3A_26] : memref<2x9984xi32, #tpu.memory_space<vmem>> -> memref<1x128xi32, #tpu.memory_space<vmem>>
    %dma_start3A_28 = tpu.memref_squeeze %dma_start3A_27 : memref<1x128xi32, #tpu.memory_space<vmem>> -> memref<128xi32, #tpu.memory_space<vmem>>
    %dma_start3A_29 = arith.constant 0 : i32
    %dma_start3A_30 = arith.constant 0 : i32
    %dma_start3A_31 = tpu.memref_slice %arg2[%dma_start3A_29, %dma_start3A_30] : memref<10000x128xi16, #tpu.memory_space<hbm>> -> memref<10000x128xi16, #tpu.memory_space<hbm>>
    tpu.enqueue_indirect_dma source(%dma_start3A_31 : memref<10000x128xi16, #tpu.memory_space<hbm>>) target(%arg10 : memref<128x128xi16, #tpu.memory_space<vmem>>) offsets(%dma_start3A_28 : memref<128xi32, #tpu.memory_space<vmem>>) semaphore(%arg14 : memref<!tpu.dma_semaphore, #tpu.memory_space<semaphore_mem>>)
    %dma_wait3A = arith.constant 0 : i32
    %dma_wait3A_32 = arith.constant 9600 : i32
    %dma_wait3A_33 = tpu.memref_slice %arg6[%dma_wait3A, %dma_wait3A_32] : memref<2x9984xi32, #tpu.memory_space<vmem>> -> memref<1x128xi32, #tpu.memory_space<vmem>>
    %dma_wait3A_34 = tpu.memref_squeeze %dma_wait3A_33 : memref<1x128xi32, #tpu.memory_space<vmem>> -> memref<128xi32, #tpu.memory_space<vmem>>
    %dma_wait3A_35 = arith.constant 0 : i32
    %dma_wait3A_36 = arith.constant 0 : i32
    %dma_wait3A_37 = tpu.memref_slice %arg2[%dma_wait3A_35, %dma_wait3A_36] : memref<10000x128xi16, #tpu.memory_space<hbm>> -> memref<10000x128xi16, #tpu.memory_space<hbm>>
    tpu.wait_indirect_dma semaphore(%arg12 : memref<!tpu.dma_semaphore, #tpu.memory_space<semaphore_mem>>) src(%dma_wait3A_37 : memref<10000x128xi16, #tpu.memory_space<hbm>>) dst(%arg8 : memref<128x128xi16, #tpu.memory_space<vmem>>)
    %run_scoped3A = arith.constant 1 : i32
    "tpu.region"() ({
      %run_scoped3A_64 = tpu.sem_alloc : memref<!tpu.dma_semaphore, #tpu.memory_space<semaphore_mem>>
      %dma_start3A_65 = arith.constant 9600 : i32
      %dma_start3A_66 = tpu.memref_slice %arg6[%run_scoped3A, %dma_start3A_65] : memref<2x9984xi32, #tpu.memory_space<vmem>> -> memref<1x128xi32, #tpu.memory_space<vmem>>
      %dma_start3A_67 = tpu.memref_squeeze %dma_start3A_66 : memref<1x128xi32, #tpu.memory_space<vmem>> -> memref<128xi32, #tpu.memory_space<vmem>>
      %dma_start3A_68 = arith.constant 0 : i32
      %dma_start3A_69 = arith.constant 0 : i32
      %dma_start3A_70 = tpu.memref_slice %arg11[%dma_start3A_68, %dma_start3A_69] : memref<10240x128xi16, #tpu.memory_space<vmem_shared>> -> memref<10240x128xi16, #tpu.memory_space<vmem_shared>>
      tpu.enqueue_indirect_dma source(%arg8 : memref<128x128xi16, #tpu.memory_space<vmem>>) target(%dma_start3A_70 : memref<10240x128xi16, #tpu.memory_space<vmem_shared>>) offsets(%dma_start3A_67 : memref<128xi32, #tpu.memory_space<vmem>>) semaphore(%run_scoped3A_64 : memref<!tpu.dma_semaphore, #tpu.memory_space<semaphore_mem>>) {add = true}
      %dma_wait3A_71 = arith.constant 9600 : i32
      %dma_wait3A_72 = tpu.memref_slice %arg6[%run_scoped3A, %dma_wait3A_71] : memref<2x9984xi32, #tpu.memory_space<vmem>> -> memref<1x128xi32, #tpu.memory_space<vmem>>
      %dma_wait3A_73 = tpu.memref_squeeze %dma_wait3A_72 : memref<1x128xi32, #tpu.memory_space<vmem>> -> memref<128xi32, #tpu.memory_space<vmem>>
      %dma_wait3A_74 = arith.constant 0 : i32
      %dma_wait3A_75 = arith.constant 0 : i32
      %dma_wait3A_76 = tpu.memref_slice %arg11[%dma_wait3A_74, %dma_wait3A_75] : memref<10240x128xi16, #tpu.memory_space<vmem_shared>> -> memref<10240x128xi16, #tpu.memory_space<vmem_shared>>
      tpu.wait_indirect_dma semaphore(%run_scoped3A_64 : memref<!tpu.dma_semaphore, #tpu.memory_space<semaphore_mem>>) src(%arg8 : memref<128x128xi16, #tpu.memory_space<vmem>>) dst(%dma_wait3A_76 : memref<10240x128xi16, #tpu.memory_space<vmem_shared>>)
      tpu.yield
    }) : () -> ()
    %dma_wait3A_38 = arith.constant 0 : i32
    %dma_wait3A_39 = arith.constant 9728 : i32
    %dma_wait3A_40 = tpu.memref_slice %arg6[%dma_wait3A_38, %dma_wait3A_39] : memref<2x9984xi32, #tpu.memory_space<vmem>> -> memref<1x128xi32, #tpu.memory_space<vmem>>
    %dma_wait3A_41 = tpu.memref_squeeze %dma_wait3A_40 : memref<1x128xi32, #tpu.memory_space<vmem>> -> memref<128xi32, #tpu.memory_space<vmem>>
    %dma_wait3A_42 = arith.constant 0 : i32
    %dma_wait3A_43 = arith.constant 0 : i32
    %dma_wait3A_44 = tpu.memref_slice %arg2[%dma_wait3A_42, %dma_wait3A_43] : memref<10000x128xi16, #tpu.memory_space<hbm>> -> memref<10000x128xi16, #tpu.memory_space<hbm>>
    tpu.wait_indirect_dma semaphore(%arg13 : memref<!tpu.dma_semaphore, #tpu.memory_space<semaphore_mem>>) src(%dma_wait3A_44 : memref<10000x128xi16, #tpu.memory_space<hbm>>) dst(%arg9 : memref<128x128xi16, #tpu.memory_space<vmem>>)
    %run_scoped3A_45 = arith.constant 1 : i32
    "tpu.region"() ({
      %run_scoped3A_64 = tpu.sem_alloc : memref<!tpu.dma_semaphore, #tpu.memory_space<semaphore_mem>>
      %dma_start3A_65 = arith.constant 9728 : i32
      %dma_start3A_66 = tpu.memref_slice %arg6[%run_scoped3A_45, %dma_start3A_65] : memref<2x9984xi32, #tpu.memory_space<vmem>> -> memref<1x128xi32, #tpu.memory_space<vmem>>
      %dma_start3A_67 = tpu.memref_squeeze %dma_start3A_66 : memref<1x128xi32, #tpu.memory_space<vmem>> -> memref<128xi32, #tpu.memory_space<vmem>>
      %dma_start3A_68 = arith.constant 0 : i32
      %dma_start3A_69 = arith.constant 0 : i32
      %dma_start3A_70 = tpu.memref_slice %arg11[%dma_start3A_68, %dma_start3A_69] : memref<10240x128xi16, #tpu.memory_space<vmem_shared>> -> memref<10240x128xi16, #tpu.memory_space<vmem_shared>>
      tpu.enqueue_indirect_dma source(%arg9 : memref<128x128xi16, #tpu.memory_space<vmem>>) target(%dma_start3A_70 : memref<10240x128xi16, #tpu.memory_space<vmem_shared>>) offsets(%dma_start3A_67 : memref<128xi32, #tpu.memory_space<vmem>>) semaphore(%run_scoped3A_64 : memref<!tpu.dma_semaphore, #tpu.memory_space<semaphore_mem>>) {add = true}
      %dma_wait3A_71 = arith.constant 9728 : i32
      %dma_wait3A_72 = tpu.memref_slice %arg6[%run_scoped3A_45, %dma_wait3A_71] : memref<2x9984xi32, #tpu.memory_space<vmem>> -> memref<1x128xi32, #tpu.memory_space<vmem>>
      %dma_wait3A_73 = tpu.memref_squeeze %dma_wait3A_72 : memref<1x128xi32, #tpu.memory_space<vmem>> -> memref<128xi32, #tpu.memory_space<vmem>>
      %dma_wait3A_74 = arith.constant 0 : i32
      %dma_wait3A_75 = arith.constant 0 : i32
      %dma_wait3A_76 = tpu.memref_slice %arg11[%dma_wait3A_74, %dma_wait3A_75] : memref<10240x128xi16, #tpu.memory_space<vmem_shared>> -> memref<10240x128xi16, #tpu.memory_space<vmem_shared>>
      tpu.wait_indirect_dma semaphore(%run_scoped3A_64 : memref<!tpu.dma_semaphore, #tpu.memory_space<semaphore_mem>>) src(%arg9 : memref<128x128xi16, #tpu.memory_space<vmem>>) dst(%dma_wait3A_76 : memref<10240x128xi16, #tpu.memory_space<vmem_shared>>)
      tpu.yield
    }) : () -> ()
    %dma_wait3A_46 = arith.constant 0 : i32
    %dma_wait3A_47 = arith.constant 9856 : i32
    %dma_wait3A_48 = tpu.memref_slice %arg6[%dma_wait3A_46, %dma_wait3A_47] : memref<2x9984xi32, #tpu.memory_space<vmem>> -> memref<1x128xi32, #tpu.memory_space<vmem>>
    %dma_wait3A_49 = tpu.memref_squeeze %dma_wait3A_48 : memref<1x128xi32, #tpu.memory_space<vmem>> -> memref<128xi32, #tpu.memory_space<vmem>>
    %dma_wait3A_50 = arith.constant 0 : i32
    %dma_wait3A_51 = arith.constant 0 : i32
    %dma_wait3A_52 = tpu.memref_slice %arg2[%dma_wait3A_50, %dma_wait3A_51] : memref<10000x128xi16, #tpu.memory_space<hbm>> -> memref<10000x128xi16, #tpu.memory_space<hbm>>
    tpu.wait_indirect_dma semaphore(%arg14 : memref<!tpu.dma_semaphore, #tpu.memory_space<semaphore_mem>>) src(%dma_wait3A_52 : memref<10000x128xi16, #tpu.memory_space<hbm>>) dst(%arg10 : memref<128x128xi16, #tpu.memory_space<vmem>>)
    %run_scoped3A_53 = arith.constant 1 : i32
    "tpu.region"() ({
      %run_scoped3A_64 = tpu.sem_alloc : memref<!tpu.dma_semaphore, #tpu.memory_space<semaphore_mem>>
      %dma_start3A_65 = arith.constant 9856 : i32
      %dma_start3A_66 = tpu.memref_slice %arg6[%run_scoped3A_53, %dma_start3A_65] : memref<2x9984xi32, #tpu.memory_space<vmem>> -> memref<1x128xi32, #tpu.memory_space<vmem>>
      %dma_start3A_67 = tpu.memref_squeeze %dma_start3A_66 : memref<1x128xi32, #tpu.memory_space<vmem>> -> memref<128xi32, #tpu.memory_space<vmem>>
      %dma_start3A_68 = arith.constant 0 : i32
      %dma_start3A_69 = arith.constant 0 : i32
      %dma_start3A_70 = tpu.memref_slice %arg11[%dma_start3A_68, %dma_start3A_69] : memref<10240x128xi16, #tpu.memory_space<vmem_shared>> -> memref<10240x128xi16, #tpu.memory_space<vmem_shared>>
      tpu.enqueue_indirect_dma source(%arg10 : memref<128x128xi16, #tpu.memory_space<vmem>>) target(%dma_start3A_70 : memref<10240x128xi16, #tpu.memory_space<vmem_shared>>) offsets(%dma_start3A_67 : memref<128xi32, #tpu.memory_space<vmem>>) semaphore(%run_scoped3A_64 : memref<!tpu.dma_semaphore, #tpu.memory_space<semaphore_mem>>) {add = true}
      %dma_wait3A_71 = arith.constant 9856 : i32
      %dma_wait3A_72 = tpu.memref_slice %arg6[%run_scoped3A_53, %dma_wait3A_71] : memref<2x9984xi32, #tpu.memory_space<vmem>> -> memref<1x128xi32, #tpu.memory_space<vmem>>
      %dma_wait3A_73 = tpu.memref_squeeze %dma_wait3A_72 : memref<1x128xi32, #tpu.memory_space<vmem>> -> memref<128xi32, #tpu.memory_space<vmem>>
      %dma_wait3A_74 = arith.constant 0 : i32
      %dma_wait3A_75 = arith.constant 0 : i32
      %dma_wait3A_76 = tpu.memref_slice %arg11[%dma_wait3A_74, %dma_wait3A_75] : memref<10240x128xi16, #tpu.memory_space<vmem_shared>> -> memref<10240x128xi16, #tpu.memory_space<vmem_shared>>
      tpu.wait_indirect_dma semaphore(%run_scoped3A_64 : memref<!tpu.dma_semaphore, #tpu.memory_space<semaphore_mem>>) src(%arg10 : memref<128x128xi16, #tpu.memory_space<vmem>>) dst(%dma_wait3A_76 : memref<10240x128xi16, #tpu.memory_space<vmem_shared>>)
      tpu.yield
    }) : () -> ()
    %ge3A_54 = arith.constant 28 : i32
    %ge3A_55 = arith.cmpi sge, %add3A, %ge3A_54 : i32
    %convert_element_type3A_56 = arith.extui %ge3A_55 : i1 to i32
    %cond3A_57 = arith.constant 0 : i32
    %cond3A_58 = arith.cmpi ne, %convert_element_type3A_56, %cond3A_57 : i32
    scf.if %cond3A_58 {
      %dma_start3A_64 = arith.constant 0 : i32
      %dma_start3A_65 = arith.constant 0 : i32
      %dma_start3A_66 = tpu.memref_slice %arg7[%dma_start3A_64, %dma_start3A_65] : memref<2x128xi32, #tpu.memory_space<vmem>> -> memref<1x128xi32, #tpu.memory_space<vmem>>
      %dma_start3A_67 = tpu.memref_squeeze %dma_start3A_66 : memref<1x128xi32, #tpu.memory_space<vmem>> -> memref<128xi32, #tpu.memory_space<vmem>>
      %dma_start3A_68 = arith.constant 0 : i32
      %dma_start3A_69 = arith.constant 0 : i32
      %dma_start3A_70 = tpu.memref_slice %arg2[%dma_start3A_68, %dma_start3A_69] : memref<10000x128xi16, #tpu.memory_space<hbm>> -> memref<10000x128xi16, #tpu.memory_space<hbm>>
      tpu.enqueue_indirect_dma source(%dma_start3A_70 : memref<10000x128xi16, #tpu.memory_space<hbm>>) target(%arg8 : memref<128x128xi16, #tpu.memory_space<vmem>>) offsets(%dma_start3A_67 : memref<128xi32, #tpu.memory_space<vmem>>) semaphore(%arg12 : memref<!tpu.dma_semaphore, #tpu.memory_space<semaphore_mem>>)
      %dma_wait3A_71 = arith.constant 0 : i32
      %dma_wait3A_72 = arith.constant 0 : i32
      %dma_wait3A_73 = tpu.memref_slice %arg7[%dma_wait3A_71, %dma_wait3A_72] : memref<2x128xi32, #tpu.memory_space<vmem>> -> memref<1x128xi32, #tpu.memory_space<vmem>>
      %dma_wait3A_74 = tpu.memref_squeeze %dma_wait3A_73 : memref<1x128xi32, #tpu.memory_space<vmem>> -> memref<128xi32, #tpu.memory_space<vmem>>
      %dma_wait3A_75 = arith.constant 0 : i32
      %dma_wait3A_76 = arith.constant 0 : i32
      %dma_wait3A_77 = tpu.memref_slice %arg2[%dma_wait3A_75, %dma_wait3A_76] : memref<10000x128xi16, #tpu.memory_space<hbm>> -> memref<10000x128xi16, #tpu.memory_space<hbm>>
      tpu.wait_indirect_dma semaphore(%arg12 : memref<!tpu.dma_semaphore, #tpu.memory_space<semaphore_mem>>) src(%dma_wait3A_77 : memref<10000x128xi16, #tpu.memory_space<hbm>>) dst(%arg8 : memref<128x128xi16, #tpu.memory_space<vmem>>)
      %run_scoped3A_78 = arith.constant 1 : i32
      "tpu.region"() ({
        %run_scoped3A_79 = tpu.sem_alloc : memref<!tpu.dma_semaphore, #tpu.memory_space<semaphore_mem>>
        %dma_start3A_80 = arith.constant 0 : i32
        %dma_start3A_81 = tpu.memref_slice %arg7[%run_scoped3A_78, %dma_start3A_80] : memref<2x128xi32, #tpu.memory_space<vmem>> -> memref<1x128xi32, #tpu.memory_space<vmem>>
        %dma_start3A_82 = tpu.memref_squeeze %dma_start3A_81 : memref<1x128xi32, #tpu.memory_space<vmem>> -> memref<128xi32, #tpu.memory_space<vmem>>
        %dma_start3A_83 = arith.constant 0 : i32
        %dma_start3A_84 = arith.constant 0 : i32
        %dma_start3A_85 = tpu.memref_slice %arg11[%dma_start3A_83, %dma_start3A_84] : memref<10240x128xi16, #tpu.memory_space<vmem_shared>> -> memref<10240x128xi16, #tpu.memory_space<vmem_shared>>
        tpu.enqueue_indirect_dma source(%arg8 : memref<128x128xi16, #tpu.memory_space<vmem>>) target(%dma_start3A_85 : memref<10240x128xi16, #tpu.memory_space<vmem_shared>>) offsets(%dma_start3A_82 : memref<128xi32, #tpu.memory_space<vmem>>) semaphore(%run_scoped3A_79 : memref<!tpu.dma_semaphore, #tpu.memory_space<semaphore_mem>>) {add = true}
        %dma_wait3A_86 = arith.constant 0 : i32
        %dma_wait3A_87 = tpu.memref_slice %arg7[%run_scoped3A_78, %dma_wait3A_86] : memref<2x128xi32, #tpu.memory_space<vmem>> -> memref<1x128xi32, #tpu.memory_space<vmem>>
        %dma_wait3A_88 = tpu.memref_squeeze %dma_wait3A_87 : memref<1x128xi32, #tpu.memory_space<vmem>> -> memref<128xi32, #tpu.memory_space<vmem>>
        %dma_wait3A_89 = arith.constant 0 : i32
        %dma_wait3A_90 = arith.constant 0 : i32
        %dma_wait3A_91 = tpu.memref_slice %arg11[%dma_wait3A_89, %dma_wait3A_90] : memref<10240x128xi16, #tpu.memory_space<vmem_shared>> -> memref<10240x128xi16, #tpu.memory_space<vmem_shared>>
        tpu.wait_indirect_dma semaphore(%run_scoped3A_79 : memref<!tpu.dma_semaphore, #tpu.memory_space<semaphore_mem>>) src(%arg8 : memref<128x128xi16, #tpu.memory_space<vmem>>) dst(%dma_wait3A_91 : memref<10240x128xi16, #tpu.memory_space<vmem_shared>>)
        tpu.yield
      }) : () -> ()
    } else {
    }
    %barrier3A_59 = arith.constant 0 : index
    tpu.barrier barrier_id(%barrier3A_59)
    %mul3A_60 = arith.constant 640 : i32
    %mul3A_61 = arith.muli %arg1, %mul3A_60 : i32
    %mul3A_62 = arith.constant 640 : i32
    %mul3A_63 = arith.muli %arg1, %mul3A_62 : i32
    "tpu.region"() ({
      %run_scoped3A_64 = tpu.sem_alloc : memref<!tpu.dma_semaphore, #tpu.memory_space<semaphore_mem>>
      %dma_start3A_65 = arith.constant 0 : i32
      %dma_start3A_66 = tpu.memref_slice %arg5[%arg0, %mul3A_63, %dma_start3A_65] : memref<2x10240x128xi16, #tpu.memory_space<hbm>> -> memref<1x640x128xi16, #tpu.memory_space<hbm>>
      %dma_start3A_67 = tpu.memref_squeeze %dma_start3A_66 : memref<1x640x128xi16, #tpu.memory_space<hbm>> -> memref<640x128xi16, #tpu.memory_space<hbm>>
      %dma_start3A_68 = arith.constant 0 : i32
      %dma_start3A_69 = tpu.memref_slice %arg11[%mul3A_61, %dma_start3A_68] : memref<10240x128xi16, #tpu.memory_space<vmem_shared>> -> memref<640x128xi16, #tpu.memory_space<vmem_shared>>
      tpu.enqueue_dma source(%dma_start3A_69 : memref<640x128xi16, #tpu.memory_space<vmem_shared>>) target(%dma_start3A_67 : memref<640x128xi16, #tpu.memory_space<hbm>>) target_semaphore(%run_scoped3A_64 : memref<!tpu.dma_semaphore, #tpu.memory_space<semaphore_mem>>)
      %dma_wait3A_70 = arith.constant 0 : i32
      %dma_wait3A_71 = tpu.memref_slice %arg5[%arg0, %mul3A_63, %dma_wait3A_70] : memref<2x10240x128xi16, #tpu.memory_space<hbm>> -> memref<1x640x128xi16, #tpu.memory_space<hbm>>
      %dma_wait3A_72 = tpu.memref_squeeze %dma_wait3A_71 : memref<1x640x128xi16, #tpu.memory_space<hbm>> -> memref<640x128xi16, #tpu.memory_space<hbm>>
      %dma_wait3A_73 = arith.constant 0 : i32
      %dma_wait3A_74 = tpu.memref_slice %arg11[%mul3A_61, %dma_wait3A_73] : memref<10240x128xi16, #tpu.memory_space<vmem_shared>> -> memref<640x128xi16, #tpu.memory_space<vmem_shared>>
      tpu.wait_dma2 semaphore(%run_scoped3A_64 : memref<!tpu.dma_semaphore, #tpu.memory_space<semaphore_mem>>) src(%dma_wait3A_74 : memref<640x128xi16, #tpu.memory_space<vmem_shared>>) dst(%dma_wait3A_72 : memref<640x128xi16, #tpu.memory_space<hbm>>)
      tpu.yield
    }) : () -> ()
    return
  }
}

module attributes {stable_mosaic.version = 14 : i64} {
  func.func @_scale_body(%arg0: i32, %arg1: memref<2048x128xf32, #tpu.memory_space<vmem>>, %arg2: memref<32x2048xf32, #tpu.memory_space<vmem>>, %arg3: memref<2048x128xi16, #tpu.memory_space<vmem>>) attributes {dimension_semantics = [#tpu.dimension_semantics<arbitrary>], iteration_bounds = array<i64: 5>, scalar_prefetch = 0 : i64, scratch_operands = 0 : i64, tpu.core_type = #tpu.core_type<tc>, window_params = [{transform_indices = @transform_0, window_bounds = array<i64: 2048, 128>}, {transform_indices = @transform_1, window_bounds = array<i64: 32, 2048>}, {transform_indices = @transform_2, window_bounds = array<i64: 2048, 128>}]} {
    %get3A = arith.constant 0 : index
    %get3A_0 = arith.constant 0 : index
    %get3A_1 = vector.load %arg2[%get3A, %get3A_0] : memref<32x2048xf32, #tpu.memory_space<vmem>>, vector<32x2048xf32>
    %reduce_sum3A = arith.constant dense<0.000000e+00> : vector<2048xf32>
    %reduce_sum3A_2 = vector.multi_reduction <add>, %get3A_1, %reduce_sum3A [0] : vector<32x2048xf32> to vector<2048xf32>
    %add3A = arith.constant 1.000000e+00 : f32
    %add3A_3 = vector.broadcast %add3A : f32 to vector<2048xf32>
    %add3A_4 = arith.addf %reduce_sum3A_2, %add3A_3 : vector<2048xf32>
    %rsqrt3A = math.rsqrt %add3A_4 : vector<2048xf32>
    %get3A_5 = arith.constant 0 : index
    %get3A_6 = arith.constant 0 : index
    %get3A_7 = vector.load %arg1[%get3A_5, %get3A_6] : memref<2048x128xf32, #tpu.memory_space<vmem>>, vector<2048x128xf32>
    %broadcast_in_dim3A = vector.shape_cast %rsqrt3A : vector<2048xf32> to vector<2048x1xf32>
    %mul3A = vector.broadcast %broadcast_in_dim3A : vector<2048x1xf32> to vector<2048x128xf32>
    %mul3A_8 = arith.mulf %get3A_7, %mul3A : vector<2048x128xf32>
    %mul3A_9 = arith.constant 2.048000e+03 : f32
    %mul3A_10 = vector.broadcast %mul3A_9 : f32 to vector<2048x128xf32>
    %mul3A_11 = arith.mulf %mul3A_8, %mul3A_10 : vector<2048x128xf32>
    %round3A = math.round %mul3A_11 : vector<2048x128xf32>
    %convert_element_type3A = arith.fptosi %round3A : vector<2048x128xf32> to vector<2048x128xi16>
    %swap3A = arith.constant 0 : index
    %swap3A_12 = arith.constant 0 : index
    %swap3A_13 = vector.load %arg3[%swap3A, %swap3A_12] : memref<2048x128xi16, #tpu.memory_space<vmem>>, vector<2048x128xi16>
    tpu.vector_store %arg3[%swap3A, %swap3A_12], %convert_element_type3A {strides = array<i32>} : memref<2048x128xi16, #tpu.memory_space<vmem>>, vector<2048x128xi16>,
    return
  }
  func.func @transform_0(%arg0: i32) -> (i32, i32) {
    %c0_i32 = arith.constant 0 : i32
    %c0_i32_0 = arith.constant 0 : i32
    return %arg0, %c0_i32 : i32, i32
  }
  func.func @transform_1(%arg0: i32) -> (i32, i32) {
    %c0_i32 = arith.constant 0 : i32
    %c0_i32_0 = arith.constant 0 : i32
    return %c0_i32, %arg0 : i32, i32
  }
  func.func @transform_2(%arg0: i32) -> (i32, i32) {
    %c0_i32 = arith.constant 0 : i32
    %c0_i32_0 = arith.constant 0 : i32
    return %arg0, %c0_i32 : i32, i32
  }
}

module attributes {stable_mosaic.version = 14 : i64} {
  func.func @_head_body(%arg0: i32, %arg1: memref<2x2048x128xf32, #tpu.memory_space<vmem>>, %arg2: memref<2048x128xi16, #tpu.memory_space<vmem>>, %arg3: memref<32x2048xf32, #tpu.memory_space<vmem>>, %arg4: memref<128x128xf32, #tpu.memory_space<vmem>>, %arg5: memref<1x128xf32, #tpu.memory_space<vmem>>, %arg6: memref<128x64xf32, #tpu.memory_space<vmem>>, %arg7: memref<1x64xf32, #tpu.memory_space<vmem>>, %arg8: memref<2048x64xf32, #tpu.memory_space<vmem>>) attributes {dimension_semantics = [#tpu.dimension_semantics<arbitrary>], iteration_bounds = array<i64: 5>, scalar_prefetch = 0 : i64, scratch_operands = 0 : i64, tpu.core_type = #tpu.core_type<tc>, window_params = [{transform_indices = @transform_0, window_bounds = array<i64: 2, 2048, 128>}, {transform_indices = @transform_1, window_bounds = array<i64: 2048, 128>}, {transform_indices = @transform_2, window_bounds = array<i64: 32, 2048>}, {pipeline_mode = #tpu.pipeline_mode<synchronous>, transform_indices = @transform_3, window_bounds = array<i64: 128, 128>}, {pipeline_mode = #tpu.pipeline_mode<synchronous>, transform_indices = @transform_4, window_bounds = array<i64: 1, 128>}, {pipeline_mode = #tpu.pipeline_mode<synchronous>, transform_indices = @transform_5, window_bounds = array<i64: 128, 64>}, {pipeline_mode = #tpu.pipeline_mode<synchronous>, transform_indices = @transform_6, window_bounds = array<i64: 1, 64>}, {transform_indices = @transform_7, window_bounds = array<i64: 2048, 64>}]} {
    %get3A = arith.constant 0 : index
    %get3A_0 = arith.constant 0 : index
    %get3A_1 = vector.load %arg3[%get3A, %get3A_0] : memref<32x2048xf32, #tpu.memory_space<vmem>>, vector<32x2048xf32>
    %reduce_sum3A = arith.constant dense<0.000000e+00> : vector<2048xf32>
    %reduce_sum3A_2 = vector.multi_reduction <add>, %get3A_1, %reduce_sum3A [0] : vector<32x2048xf32> to vector<2048xf32>
    %add3A = arith.constant 1.000000e+00 : f32
    %add3A_3 = vector.broadcast %add3A : f32 to vector<2048xf32>
    %add3A_4 = arith.addf %reduce_sum3A_2, %add3A_3 : vector<2048xf32>
    %rsqrt3A = math.rsqrt %add3A_4 : vector<2048xf32>
    %get3A_5 = arith.constant 0 : index
    %get3A_6 = arith.constant 0 : index
    %get3A_7 = arith.constant 0 : index
    %get3A_8 = vector.load %arg1[%get3A_5, %get3A_6, %get3A_7] : memref<2x2048x128xf32, #tpu.memory_space<vmem>>, vector<1x2048x128xf32>
    %get3A_9 = vector.shape_cast %get3A_8 : vector<1x2048x128xf32> to vector<2048x128xf32>
    %get3A_10 = arith.constant 1 : index
    %get3A_11 = arith.constant 0 : index
    %get3A_12 = arith.constant 0 : index
    %get3A_13 = vector.load %arg1[%get3A_10, %get3A_11, %get3A_12] : memref<2x2048x128xf32, #tpu.memory_space<vmem>>, vector<1x2048x128xf32>
    %get3A_14 = vector.shape_cast %get3A_13 : vector<1x2048x128xf32> to vector<2048x128xf32>
    %add3A_15 = arith.addf %get3A_9, %get3A_14 : vector<2048x128xf32>
    %get3A_16 = arith.constant 0 : index
    %get3A_17 = arith.constant 0 : index
    %get3A_18 = vector.load %arg2[%get3A_16, %get3A_17] : memref<2048x128xi16, #tpu.memory_space<vmem>>, vector<2048x128xi16>
    %convert_element_type3A = arith.sitofp %get3A_18 : vector<2048x128xi16> to vector<2048x128xf32>
    %add3A_19 = arith.addf %add3A_15, %convert_element_type3A : vector<2048x128xf32>
    %mul3A = arith.constant 4.8828125E-4 : f32
    %mul3A_20 = vector.broadcast %mul3A : f32 to vector<2048xf32>
    %mul3A_21 = arith.mulf %rsqrt3A, %mul3A_20 : vector<2048xf32>
    %broadcast_in_dim3A = vector.shape_cast %mul3A_21 : vector<2048xf32> to vector<2048x1xf32>
    %mul3A_22 = vector.broadcast %broadcast_in_dim3A : vector<2048x1xf32> to vector<2048x128xf32>
    %mul3A_23 = arith.mulf %add3A_19, %mul3A_22 : vector<2048x128xf32>
    %get3A_24 = arith.constant 0 : index
    %get3A_25 = arith.constant 0 : index
    %get3A_26 = vector.load %arg4[%get3A_24, %get3A_25] : memref<128x128xf32, #tpu.memory_space<vmem>>, vector<128x128xf32>
    %dot_general3A = arith.constant dense<0.000000e+00> : vector<2048x128xf32>
    %dot_general3A_27 = tpu.matmul %mul3A_23, %get3A_26, %dot_general3A {dimension_numbers = #tpu.dot_dimension_numbers<[1], [0], [0], [1], [0, 0, 1, 1], [], []>, transpose_lhs_hint = false} : vector<2048x128xf32>, vector<128x128xf32>, vector<2048x128xf32> -> vector<2048x128xf32>
    %get3A_28 = arith.constant 0 : index
    %get3A_29 = arith.constant 0 : index
    %get3A_30 = vector.load %arg5[%get3A_28, %get3A_29] : memref<1x128xf32, #tpu.memory_space<vmem>>, vector<1x128xf32>
    %add3A_31 = vector.broadcast %get3A_30 : vector<1x128xf32> to vector<2048x128xf32>
    %add3A_32 = arith.addf %dot_general3A_27, %add3A_31 : vector<2048x128xf32>
    %max3A = arith.constant 0.000000e+00 : f32
    %max3A_33 = vector.broadcast %max3A : f32 to vector<2048x128xf32>
    %max3A_34 = arith.maximumf %add3A_32, %max3A_33 : vector<2048x128xf32>
    %get3A_35 = arith.constant 0 : index
    %get3A_36 = arith.constant 0 : index
    %get3A_37 = vector.load %arg6[%get3A_35, %get3A_36] : memref<128x64xf32, #tpu.memory_space<vmem>>, vector<128x64xf32>
    %dot_general3A_38 = arith.constant dense<0.000000e+00> : vector<2048x64xf32>
    %dot_general3A_39 = tpu.matmul %max3A_34, %get3A_37, %dot_general3A_38 {dimension_numbers = #tpu.dot_dimension_numbers<[1], [0], [0], [1], [0, 0, 1, 1], [], []>, transpose_lhs_hint = false} : vector<2048x128xf32>, vector<128x64xf32>, vector<2048x64xf32> -> vector<2048x64xf32>
    %get3A_40 = arith.constant 0 : index
    %get3A_41 = arith.constant 0 : index
    %get3A_42 = vector.load %arg7[%get3A_40, %get3A_41] : memref<1x64xf32, #tpu.memory_space<vmem>>, vector<1x64xf32>
    %add3A_43 = vector.broadcast %get3A_42 : vector<1x64xf32> to vector<2048x64xf32>
    %add3A_44 = arith.addf %dot_general3A_39, %add3A_43 : vector<2048x64xf32>
    %swap3A = arith.constant 0 : index
    %swap3A_45 = arith.constant 0 : index
    %swap3A_46 = vector.load %arg8[%swap3A, %swap3A_45] : memref<2048x64xf32, #tpu.memory_space<vmem>>, vector<2048x64xf32>
    tpu.vector_store %arg8[%swap3A, %swap3A_45], %add3A_44 {strides = array<i32>} : memref<2048x64xf32, #tpu.memory_space<vmem>>, vector<2048x64xf32>,
    return
  }
  func.func @transform_0(%arg0: i32) -> (i32, i32, i32) {
    %c0_i32 = arith.constant 0 : i32
    %c0_i32_0 = arith.constant 0 : i32
    %c0_i32_1 = arith.constant 0 : i32
    return %c0_i32, %arg0, %c0_i32_0 : i32, i32, i32
  }
  func.func @transform_1(%arg0: i32) -> (i32, i32) {
    %c0_i32 = arith.constant 0 : i32
    %c0_i32_0 = arith.constant 0 : i32
    return %arg0, %c0_i32 : i32, i32
  }
  func.func @transform_2(%arg0: i32) -> (i32, i32) {
    %c0_i32 = arith.constant 0 : i32
    %c0_i32_0 = arith.constant 0 : i32
    return %c0_i32, %arg0 : i32, i32
  }
  func.func @transform_3(%arg0: i32) -> (i32, i32) {
    %c0_i32 = arith.constant 0 : i32
    %c0_i32_0 = arith.constant 0 : i32
    %c0_i32_1 = arith.constant 0 : i32
    return %c0_i32, %c0_i32_0 : i32, i32
  }
  func.func @transform_4(%arg0: i32) -> (i32, i32) {
    %c0_i32 = arith.constant 0 : i32
    %c0_i32_0 = arith.constant 0 : i32
    %c0_i32_1 = arith.constant 0 : i32
    return %c0_i32, %c0_i32_0 : i32, i32
  }
  func.func @transform_5(%arg0: i32) -> (i32, i32) {
    %c0_i32 = arith.constant 0 : i32
    %c0_i32_0 = arith.constant 0 : i32
    %c0_i32_1 = arith.constant 0 : i32
    return %c0_i32, %c0_i32_0 : i32, i32
  }
  func.func @transform_6(%arg0: i32) -> (i32, i32) {
    %c0_i32 = arith.constant 0 : i32
    %c0_i32_0 = arith.constant 0 : i32
    %c0_i32_1 = arith.constant 0 : i32
    return %c0_i32, %c0_i32_0 : i32, i32
  }
  func.func @transform_7(%arg0: i32) -> (i32, i32) {
    %c0_i32 = arith.constant 0 : i32
    %c0_i32_0 = arith.constant 0 : i32
    return %arg0, %c0_i32 : i32, i32
  }
}

</mosaic_0001>

<sc_bundles>
// kernel: kernel.6.cloned.1.call-start
scs
__scs_entry_jumppad:
0x0: {  	(pc) =	sbr.rel $0x88, $3  }
0x1: {  	(tag) =	ssettag $0x0;
	lr =	simm.s32 $0x1  }
0x2: {  	[smem:$0x3F9B] =	sst lr;
	_ =	strace $0xD0000000  }
0x3: {  	_ = 	snop  }
0x4: {  	_ = 	snop  }
0x5: {  	_ = 	snop  }
0x6: {  	_ = 	snop  }
0x7: {  	_ = 	snop  }
__scs_overlays_trampoline_lowered:
0x8: {  	[smem:$0x3FAA] =	sst s0  }
0x9: {  	[smem:$0x3FAB] =	sst s1  }
0xa: {  	[smem:$0x3FAC] =	sst s2  }
0xb: {  	[smem:$0x3FAD] =	sst s3  }
0xc: {  	[smem:$0x3FAE] =	sst s4  }
0xd: {  	[smem:$0x3FAF] =	sst s5  }
0xe: {  	[smem:$0x3FB0] =	sst s6  }
0xf: {  	[smem:$0x3FB1] =	sst s7  }
0x10: {  	[smem:$0x3FB2] =	sst s8  }
0x11: {  	[smem:$0x3FB3] =	sst s9;
	s0 =	simm.s32 @!p0 $0x0  }
0x12: {  	s1 =	sld [smem:$0x3F99];
	s0 =	simm.s32 @p0 $0x1  }
0x13: {  	[smem:$0x3FB4] =	sst s0;
	s0 =	simm.s32 @!p1 $0x0  }
0x14: {  	s2 =	sld [smem:$0x3F98];
	s0 =	simm.s32 @p1 $0x1  }
0x15: {  	[smem:$0x3FB5] =	sst s0;
	s0 =	simm.s32 @!p2 $0x0  }
0x16: {  	s3 =	sld [smem:$0x3FDB];
	s0 =	simm.s32 @p2 $0x1  }
0x17: {  	s4 =	simm.s32 $0x1BF5;
	[smem:$0x3FB7] =	sst s0  }
0x18: {  	s0 =	sld [smem:$0x3F9A];
	_ =	swait.ge [sflag:s4], $0x0  }
0x19: {  	s7 =	sld [smem:$0x3F9B]  }
0x1a: {  	s8 =	sadd.s32 $0xFFFFE003, lr  }
0x1b: {  	s9 =	sadd.s32 $0xFFFFFEF7, lr;
	s5 =	simm.s32 $0xFFFFFFFF;
	p2 =	slt.u32 s8, $0xFFFFF086  }
0x1c: {  	p1 =	slt.u32 s9, $0xF7A;
	s5 =	simm.s32 @!p2 $0x0  }
0x1d: {  	s5 =	simm.s32 @p1 $0x1;
	p0 =	seq.s32 s7, s2  }
0x1e: {  	s7 =	smul.u32 @!p0 $0xF7A, s2;
	p2 =	seq.s32 @!p0 s5, $0x0  }
0x1f: {  	s9 =	smul.u32 $0xF7A, s1;
	s8 =	simm.s32 @!p0 $0x1BF5;
	p2 =	por !p2, p0  }
0x20: {  	[sflag:s8] =	ssyncset.s32 @!p0 $0xFFFFF086;
	s6 =	sadd.s32 @!p0 s3, s7;
	s7 =	simm.s32 @!p0 $0x108  }
0x21: {  	s3 =	sadd.s32 s3, s9;
	s6 =	sadd.s32 @!p0 $0x88, s6;
	s7 =	simm.s32 @p2 $0x1082  }
0x22: {  	[simem:s7], [sflag:s8] =	dma.local @!p0 [hbm:s6], $0xF7A  }
0x23: {  	s9 =	sor.u32 $0xD0000000, s2;
	s6 =	simm.s32 $0x108;
	_ =	swait.ge @!p0 [sflag:s8], $0x0  }
0x24: {  	s3 =	sadd.s32 $0x88, s3;
	s6 =	simm.s32 @!p1 $0x1082;
	[sflag:s4] =	ssyncset.s32 $0xFFFFF086  }
0x25: {  	[simem:s6], [sflag:s4] =	dma.local [hbm:s3], $0xF7A  }
0x26: {  	[smem:$0x3F9B] =	sst s1;
	(tag) =	ssettag s2;
	_ =	strace s9  }
0x27: {  	s1 =	sld [smem:$0x3FAB]  }
0x28: {  	s2 =	sld [smem:$0x3FAC]  }
0x29: {  	s4 =	sld [smem:$0x3FAE]  }
0x2a: {  	p0 =	seq.s32 s5, $0x0;
	s5 =	sld [smem:$0x3FAF]  }
0x2b: {  	s6 =	sld [smem:$0x3FB0]  }
0x2c: {  	s7 =	sld [smem:$0x3FB1]  }
0x2d: {  	s3 =	simm.s32 $0x108;
	s8 =	sld [smem:$0x3FB2]  }
0x2e: {  	s3 =	simm.s32 @!p0 $0x1082;
	s9 =	sld [smem:$0x3FB3]  }
0x2f: {  	lr =	sadd.s32 s0, s3;
	s0 =	sld [smem:$0x3FAA]  }
0x30: {  	s3 =	sld [smem:$0x3FAD]  }
0x31: {  	[smem:$0x3FB6] =	sst s10  }
0x32: {  	s10 =	sld [smem:$0x3FB4];
	_ =	sdelay $0x3  }
0x33: {  	p0 =	seq.s32 s10, $0x1;
	s10 =	sld [smem:$0x3FB6];
	_ =	sdelay $0x3  }
0x34: {  	[smem:$0x3FB6] =	sst s10  }
0x35: {  	s10 =	sld [smem:$0x3FB5];
	_ =	sdelay $0x3  }
0x36: {  	p1 =	seq.s32 s10, $0x1;
	s10 =	sld [smem:$0x3FB6];
	_ =	sdelay $0x3  }
0x37: {  	[smem:$0x3FB6] =	sst s10  }
0x38: {  	s10 =	sld [smem:$0x3FB7]  }
0x39: {  	_ = 	snop;
	(pc) =	sbr.ind lr, $3  }
0x3a: {  	_ = 	snop  }
0x3b: {  	_ = 	snop  }
0x3c: {  	p2 =	seq.s32 s10, $0x1;
	s10 =	sld [smem:$0x3FB6]  }
0x3d: {  	_ =	shalt  }
0x3e: {  	_ =	shalt  }
0x3f: {  	_ =	shalt  }
0x40: {  	_ =	shalt  }
0x41: {  	_ =	shalt  }
0x42: {  	_ =	shalt  }
0x43: {  	_ =	shalt  }
0x44: {  	_ =	shalt  }
0x45: {  	_ =	shalt  }
0x46: {  	_ =	shalt  }
0x47: {  	_ =	shalt  }
0x48: {  	_ =	shalt  }
0x49: {  	_ =	shalt  }
0x4a: {  	_ =	shalt  }
0x4b: {  	_ =	shalt  }
0x4c: {  	_ =	shalt  }
0x4d: {  	_ =	shalt  }
0x4e: {  	_ =	shalt  }
0x4f: {  	_ =	shalt  }
0x50: {  	_ =	shalt  }
0x51: {  	_ =	shalt  }
0x52: {  	_ =	shalt  }
0x53: {  	_ =	shalt  }
0x54: {  	_ =	shalt  }
0x55: {  	_ =	shalt  }
0x56: {  	_ =	shalt  }
0x57: {  	_ =	shalt  }
0x58: {  	_ =	shalt  }
0x59: {  	_ =	shalt  }
0x5a: {  	_ =	shalt  }
0x5b: {  	_ =	shalt  }
0x5c: {  	_ =	shalt  }
0x5d: {  	_ =	shalt  }
0x5e: {  	_ =	shalt  }
0x5f: {  	_ =	shalt  }
0x60: {  	_ =	shalt  }
0x61: {  	_ =	shalt  }
0x62: {  	_ =	shalt  }
0x63: {  	_ =	shalt  }
0x64: {  	_ =	shalt  }
0x65: {  	_ =	shalt  }
0x66: {  	_ =	shalt  }
0x67: {  	_ =	shalt  }
0x68: {  	_ =	shalt  }
0x69: {  	_ =	shalt  }
0x6a: {  	_ =	shalt  }
0x6b: {  	_ =	shalt  }
0x6c: {  	_ =	shalt  }
0x6d: {  	_ =	shalt  }
0x6e: {  	_ =	shalt  }
0x6f: {  	_ =	shalt  }
0x70: {  	_ =	shalt  }
0x71: {  	_ =	shalt  }
0x72: {  	_ =	shalt  }
0x73: {  	_ =	shalt  }
0x74: {  	_ =	shalt  }
0x75: {  	_ =	shalt  }
0x76: {  	_ =	shalt  }
0x77: {  	_ =	shalt  }
0x78: {  	_ =	shalt  }
0x79: {  	_ =	shalt  }
0x7a: {  	_ =	shalt  }
0x7b: {  	_ =	shalt  }
0x7c: {  	_ =	shalt  }
0x7d: {  	_ =	shalt  }
0x7e: {  	_ =	shalt  }
0x7f: {  	_ =	shalt  }
0x80: {  	_ =	shalt  }
0x81: {  	_ =	shalt  }
0x82: {  	_ =	shalt  }
0x83: {  	_ =	shalt  }
0x84: {  	_ =	shalt  }
0x85: {  	_ =	shalt  }
0x86: {  	_ =	shalt  }
0x87: {  	_ =	shalt  }
.Lfunc_end0:
.L_simem_size_0:
called_computation_lowered:
.L_overlay_start_0:
0x88: {  	s2 =	sld [smem:$0x3FD9]  }
0x89: {  	s3 =	sld [smem:$0x3FFE];
	_ =	sdelay $0x1  }
0x8a: {  	s1 =	srdreg.scid  }
0x8b: {  	s0 =	sand.u32 $0x1, s1  }
0x8c: {  	s18 =	sshll.u32 s0, $0xA;
	s2 =	sadd.s32 s3, s2  }
0x8d: {  	s2 =	sadd.s32 s2, s18  }
0x8e: {  	[smem:$0x3FC2] =	sst s2  }
0x8f: {  	_ = 	snop  }
0x90: {  	s2 =	sld [smem:$0x3FC8]  }
0x91: {  	s19 =	sld [smem:$0x3FD0];
	(tm) =	ssettm $0x1  }
0x92: {  	s4 =	sld [smem:$0x3FFB];
	_ =	sdelay $0x3  }
0x93: {  	_ =	strace s4  }
0x94: {  	s4 =	sld [smem:$0x3FFC];
	_ =	sdelay $0x3  }
0x95: {  	_ =	strace s4  }
0x96: {  	s4 =	sld [smem:$0x3FFD];
	_ =	sdelay $0x3  }
0x97: {  	_ =	strace s4  }
0x98: {  	_ =	strace $0x8FFFFFFF  }
0x99: {  	s20 =	sld [smem:$0x3FDB];
	_ =	sdelay $0x1  }
0x9a: {  	s5 =	simm.s32 $_scs_section_size  }
0x9b: {  	s6 =	simm.s32 $_size__tile_overlayer_lowered;
	s7 =	simm.s32 $_tile_overlayer_lowered  }
0x9c: {  	s23 =	simm.s32 $0x1BFF;
	s22 =	sshll.u32 s7, $0x1;
	s4 =	sadd.s32 s5, s20  }
0x9d: {  	s8 =	simm.s32 $0x0;
	s21 =	sshll.u32 s6, $0x1;
	s6 =	sadd.s32 s22, s4  }
0x9e: {  	[timem:s8], [sflag:s23] =	dma.local [hbm:s6], s21  }
0x9f: {  	_ =	swait.ge [sflag:s23], s21  }
0xa0: {  	s5 =	ssub.s32 $0x0, s21;
	[sflag:s23] =	ssyncset.done $0x0  }
0xa1: {  	[sflag:s23] =	ssyncadd.s32 s5;
	_ =	sdelay $0x1  }
0xa2: {  	s24 =	simm.s32 $0x1B8B  }
0xa3: {  	_ =	swait.ge [sflag:s24], $0x1  }
0xa4: {  	[sflag:s24] =	ssyncset.done $0x0  }
0xa5: {  	s25 =	simm.s32 $0x1B8E;
	[sflag:s24] =	ssyncadd.s32 $0xFFFFFFFF  }
0xa6: {  	s26 =	simm.s32 $execute0_lowered;
	[smem:$0x3FD2] =	sst s25  }
0xa7: {  	s5 =	sshll.u32 s26, $0x1;
	_ =	strace $0x80000046;
	[dreg:$0x1] =	wrdreg $0xFFFFFFFF  }
0xa8: {  	s28 =	simm.s32 $_size_execute0_lowered;
	s4 =	sadd.s32 s4, s5;
	[dreg:$0x0] =	wrdreg $0x0  }
0xa9: {  	s5 =	sshll.u32 s28, $0x1;
	[dreg:$0x2] =	wrdreg s4  }
0xaa: {  	[dreg:$0x3] =	wrdreg s5  }
0xab: {  	[dreg:$0x4] =	wrdreg $0xC0  }
0xac: {  	_ =	task [dreg:s8], $0x5FFFF  }
0xad: {  	[dreg:$0x1] =	wrdreg $0xFFFFFFFF  }
0xae: {  	[dreg:$0x0] =	wrdreg $0x60  }
0xaf: {  	[dreg:$0x2] =	wrdreg s2  }
0xb0: {  	[dreg:$0x3] =	wrdreg s19  }
0xb1: {  	[dreg:$0x4] =	wrdreg $0x9  }
0xb2: {  	_ =	task.clear_ibuf [dreg:s8], $0x5FFFF;
	_ =	strace $0x90000046  }
0xb3: {  	s29 =	simm.s32 $0x9;
	_ =	strace $0x80000048  }
0xb4: {  	_ =	swait.ge [sflag:s29], $0x1  }
0xb5: {  	[sflag:s29] =	ssyncadd.s32 $0xFFFFFFFF  }
0xb6: {  	_ =	strace $0x90000048  }
0xb7: {  	_ =	sfence  }
0xb8: {  	s30 =	sld [smem:$0x0];
	_ =	sdelay $0x2  }
0xb9: {  	s31 =	sshll.u32 s1, $0xD;
	s1 =	sshrl.u32 s1, $0x2  }
0xba: {  	s3 =	sand.u32 $0x4000, s31;
	s1 =	sadd.s32 s1, s30  }
0xbb: {  	s0 =	sor.u32 s3, s0;
	s1 =	sshll.u32 s1, $0x11  }
0xbc: {  	s0 =	sor.u32 s1, s0  }
0xbd: {  	s0 =	sadd.s32 $0x8F2B, s0  }
0xbe: {  	[sflag:s0] =	ssyncadd.remote.s32 $0x1  }
0xbf: {  	_ =	sfence.sel $0xFFFF  }
0xc0: {  	[dreg:$0x0] =	wrdreg $0xFFFFFFFF;
	(pc) =	sbr.abs _section_cstart, $3  }
0xc1: {  	[dreg:$0x1] =	wrdreg $0xFFFFFFFF  }
0xc2: {  	_ =	task.clear_ibuf [dreg:s8], $0x2FFFF;
	_ =	strace $0x9FFFFFFF  }
0xc3: {  	(tm) =	ssettm $0x7FFFFFFF  }
tec
execute0_lowered:
.L_overlay_start_1:
0x0: {  	(tag) =	ssettag $0x1  }
0x1: {  	s4 =	rddreg [dreg:$0x0]  }
0x2: {  	s5 =	rddreg [dreg:$0x1]  }
0x3: {  	s0 =	rddreg [dreg:$0x2]  }
0x4: {  	s2 =	simm.s32 $0x0;
	s3 =	srdreg.scid;
	s1 =	stileid.u32  }
0x5: {  	s11 =	simm.s32 $0x0;
	[smem:$0x7FF] =	sst s2;
	s3 =	sand.u32 $0x1, s3  }
0x6: {  	s6 =	sshll.u32 s1, $0x1;
	s7 =	sshrl.u32 s1, $0x2;
	p0 =	slt.u32 s1, $0xE  }
0x7: {  	_ =	strace $0x80000047;
	s6 =	sor.u32 s3, s6;
	s7 =	smul.u32 $0x13C00, s7  }
0x8: {  	s3 =	ssub.s32 $0x2, s3;
	s8 =	sshll.u32 s6, $0x7;
	s10 =	smul.u32 $0x9C0, s6  }
0x9: {  	s9 =	sshrl.u32 s3, $0x1;
	s6 =	sshll.u32 s6, $0x5;
	s8 =	sand.u32 $0x380, s8  }
0xa: {  	s9 =	ssub.s32 s3, s9;
	s7 =	sor.u32 s7, s8;
	s3 =	sadd.s32 s4, s10  }
0xb: {  	s4 =	sadd.s32 s6, s4;
	s6 =	smax.u32 s9, $0x1;
	s8 =	simm.s32 $0x4F00  }
0xc: {  	s9 =	simm.s32 $0x80;
	s10 =	simm.s32 $0x400;
	s31 =	sshrl.u32 s7, $0x3  }
0xd: {  	v0 =	vimm.f32 $0.0e+00;
	v1 =	vimm.f32 $1.000000000e+00;
	s4 =	sadd.s32 $0x13480, s4;
	s7 =	simm.s32 $0x1;
	s5 =	sadd.s32 s5, s31  }
.LBB2_1:
0xe: {  	[tilespmem:s2], [sflag:$0x1] =	stream.linear.gather [hbm4b:s3+s2], $0x4E00, $0x38;
	[tilespmem:$0x7680] =	vst v63  }
0xf: {  	_ =	swait.ge [sflag:s7], $0x4E00  }
0x10: {  	[sflag:s7] =	ssyncset.done $0x0  }
0x11: {  	s12 =	simm.s32 @!p0 $0x0;
	s13 =	simm.s32 @!p0 $0x4E00;
	[sflag:s7] =	ssyncadd.s32 $0xFFFFB200  }
0x12: {  	[tilespmem:s13], [sflag:$0x1] =	stream.linear.gather @!p0 [hbm4b:s4+s12], $0x100, $0x38;
	[tilespmem:$0x7680] =	vst v63  }
0x13: {  	s12 =	simm.s32 @!p0 $0x1  }
0x14: {  	_ =	swait.ge @!p0 [sflag:s12], $0x100  }
0x15: {  	[sflag:s12] =	ssyncset.done @!p0 $0x0  }
0x16: {  	[sflag:s12] =	ssyncadd.s32 @!p0 $0xFFFFFF00;
	s12 =	simm.s32 $0x0  }
.LBB2_2:
0x17: {  	p1 =	sne.s32 s12, $0x9C00  }
.Ltmp0:
0x18: {  	_ = 	snop;
	(pc) =	sbr.rel @p1 .LBB2_2-.Ltmp0, $3  }
0x19: {  	_ =	sdelay $0x1  }
0x1a: {  	s13 =	sshra.s32 s12, $0x2  }
0x1b: {  	s12 =	sadd.s32 $0x40, s12;
	[tilespmem:s13+$0x4F00] =	vst v0  }
0x1c: {  	s12 =	simm.s32 $0x0  }
0x1d: {  	s13 =	sand.u32 $0x70, s12;
	s12 =	sand.u32 $0x7F00, s12  }
0x1e: {  	s13 =	sor.u32 s13, s12  }
0x1f: {  	v2 =	vld [tilespmem:s13+$0x80];
	_ =	sdelay $0x5  }
0x20: {  	s14 =	simm.s32 $0x10;
	s12 =	simm.s32 $0x20  }
0x21: {  	s14 =	sand.u32 $0x70, s14;
	s15 =	sand.u32 $0x7F00, s12;
	s13 =	simm.s32 $0x20  }
.LBB2_4:
0x22: {  	p1 =	sne.s32 s13, $0x26F0;
	s14 =	sor.u32 s14, s15;
	[tilespmem:v2+s8+$0x0] =	vst.idx.add.f32.msk $0xffff, v1  }
0x23: {  	v2 =	vld [tilespmem:s14+$0x80];
	_ =	sdelay $0x2  }
.Ltmp1:
0x24: {  	(pc) =	sbr.rel @p1 .LBB2_4-.Ltmp1, $3  }
0x25: {  	_ =	sdelay $0x1  }
0x26: {  	s12 =	sadd.s32 $0x20, s12  }
0x27: {  	s14 =	sand.u32 $0x70, s13;
	s15 =	sand.u32 $0x7F00, s12;
	s13 =	sadd.s32 $0x10, s13  }
0x28: {  	_ =	sdelay $0x3  }
0x29: {  	s12 =	sor.u32 s14, s15;
	[tilespmem:v2+s8+$0x0] =	vst.idx.add.f32.msk $0xffff, v1  }
0x2a: {  	v2 =	vld [tilespmem:s12+$0x80];
	_ =	sdelay $0x7  }
0x2b: {  	[tilespmem:v2+s8+$0x0] =	vst.idx.add.f32.msk $0xffff, v1  }
0x2c: {  	v2 =	vld @!p0 [tilespmem:$0x4E80];
	_ =	sdelay $0x6  }
0x2d: {  	v3 =	vimm.f32 @!p0 $1.000000000e+00;
	s12 =	simm.s32 @!p0 $0x4F00  }
0x2e: {  	[tilespmem:v2+s12+$0x0] =	vst.idx.add.f32.msk @!p0 $0xffff, v3  }
0x2f: {  	v2 =	vld @!p0 [tilespmem:$0x4E90];
	_ =	sdelay $0x7  }
0x30: {  	[tilespmem:v2+s12+$0x0] =	vst.idx.add.f32.msk @!p0 $0xffff, v3  }
0x31: {  	v2 =	vld @!p0 [tilespmem:$0x4EA0];
	_ =	sdelay $0x7  }
0x32: {  	[tilespmem:v2+s12+$0x0] =	vst.idx.add.f32.msk @!p0 $0xffff, v3  }
0x33: {  	v2 =	vld @!p0 [tilespmem:$0x4EB0];
	_ =	sdelay $0x7  }
0x34: {  	[tilespmem:v2+s12+$0x0] =	vst.idx.add.f32.msk @!p0 $0xffff, v3  }
0x35: {  	v2 =	vld @!p0 [tilespmem:$0x4EC0];
	_ =	sdelay $0x7  }
0x36: {  	[tilespmem:v2+s12+$0x0] =	vst.idx.add.f32.msk @!p0 $0xffff, v3  }
0x37: {  	v2 =	vld @!p0 [tilespmem:$0x4ED0];
	_ =	sdelay $0x7  }
0x38: {  	[tilespmem:v2+s12+$0x0] =	vst.idx.add.f32.msk @!p0 $0xffff, v3  }
0x39: {  	v2 =	vld @!p0 [tilespmem:$0x4EE0];
	_ =	sdelay $0x7  }
0x3a: {  	[tilespmem:v2+s12+$0x0] =	vst.idx.add.f32.msk @!p0 $0xffff, v3  }
0x3b: {  	v2 =	vld @!p0 [tilespmem:$0x4EF0];
	_ =	sdelay $0x5  }
0x3c: {  	s11 =	sadd.s32 $0x1, s11  }
0x3d: {  	p1 =	sne.s32 s11, s6  }
.Ltmp2:
0x3e: {  	[tilespmem:v2+s12+$0x0] =	vst.idx.add.f32.msk @!p0 $0xffff, v3;
	(pc) =	sbr.rel @p1 .LBB2_1-.Ltmp2, $4  }
0x3f: {  	[hbm4b:s5+s9] =	stream.strided.scatter [tilespmem:s8], [sflag:$0x1], $0x2780, s10, s9, $0x38;
	[tilespmem:$0x7680] =	vst v63  }
0x40: {  	_ =	swait.ge [sflag:s7], $0x2780  }
0x41: {  	[sflag:s7] =	ssyncset.done $0x0  }
0x42: {  	[sflag:s7] =	ssyncadd.s32 $0xFFFFD880  }
0x43: {  	_ =	sfence.sel $0x180000  }
0x44: {  	[bflag:$0x0] =	sbarrier.arrive $0xFFFF  }
0x45: {  	p0 =	sne.s32 s1, $0x0;
	_ =	strace $0x90000047  }
0x46: {  	s0 =	sadd.s32 @!p0 $0x100000, s0;
	[bflag:$0x2] =	sbarrier.arrive $0xFFFF  }
0x47: {  	[sflag:s0] =	ssyncadd.tile.s32 @!p0 $0x1;
	_ =	shalt  }
.Lfunc_end2:
_tile_overlayer_lowered:
.L_overlay_start_2:
0x48: {  	(tag) =	ssettag $0x2  }
0x49: {  	s0 =	rddreg [dreg:$0x0];
	s2 =	stileid.u32  }
0x4a: {  	s1 =	rddreg [dreg:$0x1];
	p0 =	sne.s32 s2, $0x0  }
0x4b: {  	s3 =	rddreg [dreg:$0x2];
	[bflag:$0x3] =	sbarrier.arrive $0xFFFF;
	s2 =	simm.s32 @!p0 $0x1C01  }
0x4c: {  	[timem:s3], [sflag:s2] =	dma.local @!p0 [hbm:s0], s1  }
0x4d: {  	s0 =	simm.s32 @!p0 $0x1  }
0x4e: {  	_ =	swait.ge @!p0 [sflag:s0], s1  }
0x4f: {  	s1 =	ssub.s32 @!p0 $0x0, s1;
	[sflag:s0] =	ssyncset.done @!p0 $0x0  }
0x50: {  	[sflag:s0] =	ssyncadd.s32 @!p0 s1  }
0x51: {  	[bflag:$0x3] =	sbarrier.arrive $0xFFFF  }
0x52: {  	_ =	shalt  }

// kernel: kernel.9.cloned.1.call-start
scs
__scs_entry_jumppad:
0x0: {  	(pc) =	sbr.rel $0x88, $3  }
0x1: {  	(tag) =	ssettag $0x0;
	lr =	simm.s32 $0x1  }
0x2: {  	[smem:$0x3F9B] =	sst lr;
	_ =	strace $0xD0000000  }
0x3: {  	_ = 	snop  }
0x4: {  	_ = 	snop  }
0x5: {  	_ = 	snop  }
0x6: {  	_ = 	snop  }
0x7: {  	_ = 	snop  }
__scs_overlays_trampoline_lowered:
0x8: {  	[smem:$0x3FAA] =	sst s0  }
0x9: {  	[smem:$0x3FAB] =	sst s1  }
0xa: {  	[smem:$0x3FAC] =	sst s2  }
0xb: {  	[smem:$0x3FAD] =	sst s3  }
0xc: {  	[smem:$0x3FAE] =	sst s4  }
0xd: {  	[smem:$0x3FAF] =	sst s5  }
0xe: {  	[smem:$0x3FB0] =	sst s6  }
0xf: {  	[smem:$0x3FB1] =	sst s7  }
0x10: {  	[smem:$0x3FB2] =	sst s8  }
0x11: {  	[smem:$0x3FB3] =	sst s9;
	s0 =	simm.s32 @!p0 $0x0  }
0x12: {  	s1 =	sld [smem:$0x3F99];
	s0 =	simm.s32 @p0 $0x1  }
0x13: {  	[smem:$0x3FB4] =	sst s0;
	s0 =	simm.s32 @!p1 $0x0  }
0x14: {  	s2 =	sld [smem:$0x3F98];
	s0 =	simm.s32 @p1 $0x1  }
0x15: {  	[smem:$0x3FB5] =	sst s0;
	s0 =	simm.s32 @!p2 $0x0  }
0x16: {  	s3 =	sld [smem:$0x3FDB];
	s0 =	simm.s32 @p2 $0x1  }
0x17: {  	s4 =	simm.s32 $0x1BF5;
	[smem:$0x3FB7] =	sst s0  }
0x18: {  	s0 =	sld [smem:$0x3F9A];
	_ =	swait.ge [sflag:s4], $0x0  }
0x19: {  	s7 =	sld [smem:$0x3F9B]  }
0x1a: {  	s8 =	sadd.s32 $0xFFFFE003, lr  }
0x1b: {  	s9 =	sadd.s32 $0xFFFFFEF7, lr;
	s5 =	simm.s32 $0xFFFFFFFF;
	p2 =	slt.u32 s8, $0xFFFFF086  }
0x1c: {  	p1 =	slt.u32 s9, $0xF7A;
	s5 =	simm.s32 @!p2 $0x0  }
0x1d: {  	s5 =	simm.s32 @p1 $0x1;
	p0 =	seq.s32 s7, s2  }
0x1e: {  	s7 =	smul.u32 @!p0 $0xF7A, s2;
	p2 =	seq.s32 @!p0 s5, $0x0  }
0x1f: {  	s9 =	smul.u32 $0xF7A, s1;
	s8 =	simm.s32 @!p0 $0x1BF5;
	p2 =	por !p2, p0  }
0x20: {  	[sflag:s8] =	ssyncset.s32 @!p0 $0xFFFFF086;
	s6 =	sadd.s32 @!p0 s3, s7;
	s7 =	simm.s32 @!p0 $0x108  }
0x21: {  	s3 =	sadd.s32 s3, s9;
	s6 =	sadd.s32 @!p0 $0x88, s6;
	s7 =	simm.s32 @p2 $0x1082  }
0x22: {  	[simem:s7], [sflag:s8] =	dma.local @!p0 [hbm:s6], $0xF7A  }
0x23: {  	s9 =	sor.u32 $0xD0000000, s2;
	s6 =	simm.s32 $0x108;
	_ =	swait.ge @!p0 [sflag:s8], $0x0  }
0x24: {  	s3 =	sadd.s32 $0x88, s3;
	s6 =	simm.s32 @!p1 $0x1082;
	[sflag:s4] =	ssyncset.s32 $0xFFFFF086  }
0x25: {  	[simem:s6], [sflag:s4] =	dma.local [hbm:s3], $0xF7A  }
0x26: {  	[smem:$0x3F9B] =	sst s1;
	(tag) =	ssettag s2;
	_ =	strace s9  }
0x27: {  	s1 =	sld [smem:$0x3FAB]  }
0x28: {  	s2 =	sld [smem:$0x3FAC]  }
0x29: {  	s4 =	sld [smem:$0x3FAE]  }
0x2a: {  	p0 =	seq.s32 s5, $0x0;
	s5 =	sld [smem:$0x3FAF]  }
0x2b: {  	s6 =	sld [smem:$0x3FB0]  }
0x2c: {  	s7 =	sld [smem:$0x3FB1]  }
0x2d: {  	s3 =	simm.s32 $0x108;
	s8 =	sld [smem:$0x3FB2]  }
0x2e: {  	s3 =	simm.s32 @!p0 $0x1082;
	s9 =	sld [smem:$0x3FB3]  }
0x2f: {  	lr =	sadd.s32 s0, s3;
	s0 =	sld [smem:$0x3FAA]  }
0x30: {  	s3 =	sld [smem:$0x3FAD]  }
0x31: {  	[smem:$0x3FB6] =	sst s10  }
0x32: {  	s10 =	sld [smem:$0x3FB4];
	_ =	sdelay $0x3  }
0x33: {  	p0 =	seq.s32 s10, $0x1;
	s10 =	sld [smem:$0x3FB6];
	_ =	sdelay $0x3  }
0x34: {  	[smem:$0x3FB6] =	sst s10  }
0x35: {  	s10 =	sld [smem:$0x3FB5];
	_ =	sdelay $0x3  }
0x36: {  	p1 =	seq.s32 s10, $0x1;
	s10 =	sld [smem:$0x3FB6];
	_ =	sdelay $0x3  }
0x37: {  	[smem:$0x3FB6] =	sst s10  }
0x38: {  	s10 =	sld [smem:$0x3FB7]  }
0x39: {  	_ = 	snop;
	(pc) =	sbr.ind lr, $3  }
0x3a: {  	_ = 	snop  }
0x3b: {  	_ = 	snop  }
0x3c: {  	p2 =	seq.s32 s10, $0x1;
	s10 =	sld [smem:$0x3FB6]  }
0x3d: {  	_ =	shalt  }
0x3e: {  	_ =	shalt  }
0x3f: {  	_ =	shalt  }
0x40: {  	_ =	shalt  }
0x41: {  	_ =	shalt  }
0x42: {  	_ =	shalt  }
0x43: {  	_ =	shalt  }
0x44: {  	_ =	shalt  }
0x45: {  	_ =	shalt  }
0x46: {  	_ =	shalt  }
0x47: {  	_ =	shalt  }
0x48: {  	_ =	shalt  }
0x49: {  	_ =	shalt  }
0x4a: {  	_ =	shalt  }
0x4b: {  	_ =	shalt  }
0x4c: {  	_ =	shalt  }
0x4d: {  	_ =	shalt  }
0x4e: {  	_ =	shalt  }
0x4f: {  	_ =	shalt  }
0x50: {  	_ =	shalt  }
0x51: {  	_ =	shalt  }
0x52: {  	_ =	shalt  }
0x53: {  	_ =	shalt  }
0x54: {  	_ =	shalt  }
0x55: {  	_ =	shalt  }
0x56: {  	_ =	shalt  }
0x57: {  	_ =	shalt  }
0x58: {  	_ =	shalt  }
0x59: {  	_ =	shalt  }
0x5a: {  	_ =	shalt  }
0x5b: {  	_ =	shalt  }
0x5c: {  	_ =	shalt  }
0x5d: {  	_ =	shalt  }
0x5e: {  	_ =	shalt  }
0x5f: {  	_ =	shalt  }
0x60: {  	_ =	shalt  }
0x61: {  	_ =	shalt  }
0x62: {  	_ =	shalt  }
0x63: {  	_ =	shalt  }
0x64: {  	_ =	shalt  }
0x65: {  	_ =	shalt  }
0x66: {  	_ =	shalt  }
0x67: {  	_ =	shalt  }
0x68: {  	_ =	shalt  }
0x69: {  	_ =	shalt  }
0x6a: {  	_ =	shalt  }
0x6b: {  	_ =	shalt  }
0x6c: {  	_ =	shalt  }
0x6d: {  	_ =	shalt  }
0x6e: {  	_ =	shalt  }
0x6f: {  	_ =	shalt  }
0x70: {  	_ =	shalt  }
0x71: {  	_ =	shalt  }
0x72: {  	_ =	shalt  }
0x73: {  	_ =	shalt  }
0x74: {  	_ =	shalt  }
0x75: {  	_ =	shalt  }
0x76: {  	_ =	shalt  }
0x77: {  	_ =	shalt  }
0x78: {  	_ =	shalt  }
0x79: {  	_ =	shalt  }
0x7a: {  	_ =	shalt  }
0x7b: {  	_ =	shalt  }
0x7c: {  	_ =	shalt  }
0x7d: {  	_ =	shalt  }
0x7e: {  	_ =	shalt  }
0x7f: {  	_ =	shalt  }
0x80: {  	_ =	shalt  }
0x81: {  	_ =	shalt  }
0x82: {  	_ =	shalt  }
0x83: {  	_ =	shalt  }
0x84: {  	_ =	shalt  }
0x85: {  	_ =	shalt  }
0x86: {  	_ =	shalt  }
0x87: {  	_ =	shalt  }
.Lfunc_end0:
.L_simem_size_0:
called_computation.1_lowered:
.L_overlay_start_0:
0x88: {  	s2 =	sld [smem:$0x3FD9]  }
0x89: {  	s3 =	sld [smem:$0x3FFE];
	_ =	sdelay $0x1  }
0x8a: {  	s1 =	srdreg.scid  }
0x8b: {  	s0 =	sand.u32 $0x1, s1  }
0x8c: {  	s17 =	sshll.u32 s0, $0xA;
	s2 =	sadd.s32 s3, s2  }
0x8d: {  	s2 =	sadd.s32 s2, s17  }
0x8e: {  	[smem:$0x3FC2] =	sst s2  }
0x8f: {  	_ = 	snop  }
0x90: {  	s2 =	sld [smem:$0x3FD0];
	(tm) =	ssettm $0x1  }
0x91: {  	s18 =	sld [smem:$0x3FFB];
	_ =	sdelay $0x3  }
0x92: {  	_ =	strace s18  }
0x93: {  	s3 =	sld [smem:$0x3FFC];
	_ =	sdelay $0x3  }
0x94: {  	_ =	strace s3  }
0x95: {  	s3 =	sld [smem:$0x3FFD];
	_ =	sdelay $0x3  }
0x96: {  	_ =	strace s3  }
0x97: {  	_ =	strace $0x8FFFFFFF  }
0x98: {  	s19 =	sld [smem:$0x3FDB];
	_ =	sdelay $0x1  }
0x99: {  	s4 =	simm.s32 $_scs_section_size  }
0x9a: {  	s5 =	simm.s32 $_size__tile_overlayer_lowered;
	s6 =	simm.s32 $_tile_overlayer_lowered  }
0x9b: {  	s22 =	simm.s32 $0x1BFF;
	s21 =	sshll.u32 s6, $0x1;
	s3 =	sadd.s32 s4, s19  }
0x9c: {  	s7 =	simm.s32 $0x0;
	s20 =	sshll.u32 s5, $0x1;
	s5 =	sadd.s32 s21, s3  }
0x9d: {  	[timem:s7], [sflag:s22] =	dma.local [hbm:s5], s20  }
0x9e: {  	_ =	swait.ge [sflag:s22], s20  }
0x9f: {  	s4 =	ssub.s32 $0x0, s20;
	[sflag:s22] =	ssyncset.done $0x0  }
0xa0: {  	[sflag:s22] =	ssyncadd.s32 s4;
	_ =	sdelay $0x1  }
0xa1: {  	s23 =	simm.s32 $0x1B8B  }
0xa2: {  	_ =	swait.ge [sflag:s23], $0x1  }
0xa3: {  	[sflag:s23] =	ssyncset.done $0x0  }
0xa4: {  	s25 =	simm.s32 $0x1B8E;
	s24 =	sld [smem:$0x3FFE];
	[sflag:s23] =	ssyncadd.s32 $0xFFFFFFFF  }
0xa5: {  	s26 =	simm.s32 $execute0_lowered;
	[smem:$0x3FD2] =	sst s25  }
0xa6: {  	s5 =	sshll.u32 s26, $0x1;
	_ =	strace $0x80000049;
	[dreg:$0x1] =	wrdreg $0xFFFFFFFF  }
0xa7: {  	s28 =	simm.s32 $_size_execute0_lowered;
	s3 =	sadd.s32 s3, s5;
	[dreg:$0x0] =	wrdreg $0x0  }
0xa8: {  	s5 =	sshll.u32 s28, $0x1;
	[dreg:$0x2] =	wrdreg s3  }
0xa9: {  	[dreg:$0x3] =	wrdreg s5  }
0xaa: {  	[dreg:$0x4] =	wrdreg $0xC0  }
0xab: {  	_ =	task [dreg:s7], $0x5FFFF  }
0xac: {  	[dreg:$0x1] =	wrdreg $0xFFFFFFFF  }
0xad: {  	[dreg:$0x0] =	wrdreg $0x60  }
0xae: {  	[dreg:$0x2] =	wrdreg s2  }
0xaf: {  	[dreg:$0x3] =	wrdreg s24  }
0xb0: {  	[dreg:$0x4] =	wrdreg $0xAF000  }
0xb1: {  	[dreg:$0x5] =	wrdreg $0x9  }
0xb2: {  	_ =	task.clear_ibuf [dreg:s7], $0x6FFFF;
	_ =	strace $0x90000049  }
0xb3: {  	s29 =	simm.s32 $0x9;
	_ =	strace $0x8000004B  }
0xb4: {  	_ =	swait.ge [sflag:s29], $0x1  }
0xb5: {  	[sflag:s29] =	ssyncadd.s32 $0xFFFFFFFF  }
0xb6: {  	_ =	strace $0x9000004B  }
0xb7: {  	_ =	sfence  }
0xb8: {  	s30 =	sld [smem:$0x0];
	_ =	sdelay $0x2  }
0xb9: {  	s31 =	sshll.u32 s1, $0xD;
	s1 =	sshrl.u32 s1, $0x2  }
0xba: {  	s3 =	sand.u32 $0x4000, s31;
	s1 =	sadd.s32 s1, s30  }
0xbb: {  	s0 =	sor.u32 s3, s0;
	s1 =	sshll.u32 s1, $0x11  }
0xbc: {  	s0 =	sor.u32 s1, s0  }
0xbd: {  	s0 =	sadd.s32 $0x8F2B, s0  }
0xbe: {  	[sflag:s0] =	ssyncadd.remote.s32 $0x1  }
0xbf: {  	_ =	sfence.sel $0xFFFF  }
0xc0: {  	[dreg:$0x0] =	wrdreg $0xFFFFFFFF;
	(pc) =	sbr.abs _section_cstart, $3  }
0xc1: {  	[dreg:$0x1] =	wrdreg $0xFFFFFFFF  }
0xc2: {  	_ =	task.clear_ibuf [dreg:s7], $0x2FFFF;
	_ =	strace $0x9FFFFFFF  }
0xc3: {  	(tm) =	ssettm $0x7FFFFFFF  }
tec
execute0_lowered:
.L_overlay_start_1:
0x0: {  	(tag) =	ssettag $0x1  }
0x1: {  	s1 =	rddreg [dreg:$0x0]  }
0x2: {  	s6 =	rddreg [dreg:$0x1]  }
0x3: {  	s2 =	srdreg.scid;
	s0 =	stileid.u32  }
0x4: {  	s3 =	rddreg [dreg:$0x2];
	s4 =	simm.s32 $0x0;
	s15 =	simm.s32 $0x80  }
0x5: {  	s16 =	simm.s32 $0x4F00;
	s17 =	simm.s32 $0x6F00;
	s18 =	simm.s32 $0x8F00  }
0x6: {  	s19 =	simm.s32 $0x1;
	s20 =	simm.s32 $0x2;
	s21 =	simm.s32 $0x3  }
0x7: {  	s22 =	simm.s32 $0x2680;
	s23 =	simm.s32 $0x4C80;
	s24 =	simm.s32 $0x4D00  }
0x8: {  	s25 =	simm.s32 $0x4D80;
	s26 =	simm.s32 $0x0;
	s7 =	sand.u32 $0x1, s2  }
0x9: {  	s8 =	smul.u32 $0x14000, s0;
	[smem:$0x7FF] =	sst s4;
	s9 =	sadd.s32 $0x1600, s6  }
0xa: {  	s11 =	sshll.u32 s0, $0x1;
	p0 =	slt.u32 s0, $0xE;
	s13 =	sshll.u32 s0, $0x6  }
0xb: {  	s5 =	smul.u32 $0x140000, s7;
	_ =	strace $0x8000004A;
	s30 =	ssub.s32 $0x2, s7  }
0xc: {  	s7 =	sor.u32 s7, s11;
	s13 =	sor.u32 $0x1C04, s13;
	s31 =	sshrl.u32 s30, $0x1  }
0xd: {  	s12 =	smul.u32 $0x4E0, s7;
	s7 =	sshll.u32 s7, $0x4;
	s10 =	sadd.s32 s8, s5  }
0xe: {  	s5 =	sadd.s32 $0x15000, s6;
	s11 =	ssub.s32 s30, s31;
	s7 =	sadd.s32 s7, s9  }
0xf: {  	s8 =	sshrl.u32 s8, $0x1;
	s10 =	sshrl.u32 s10, $0x4;
	s7 =	sadd.s32 $0x9A40, s7  }
0x10: {  	s14 =	sadd.s32 s8, s3;
	s10 =	sadd.s32 s10, s6;
	s6 =	sadd.s32 s9, s12  }
0x11: {  	s9 =	smax.u32 s11, $0x1;
	s11 =	simm.s32 $0x4E200;
	s12 =	simm.s32 $0x4  }
0x12: {  	s14 =	sshrl.u32 s14, $0x3;
	s8 =	sadd.s32 $0x16400, s10;
	s10 =	simm.s32 $0x2700  }
.LBB2_1:
0x13: {  	[tilespmem:s4], [sflag:$0x4] =	stream.strided.gather [hbm4b:s6+s10], $0x4E00, s11, s10, $0x38;
	[tilespmem:$0x14F00] =	vst v63  }
0x14: {  	_ =	swait.ge [sflag:s12], $0x4E00  }
0x15: {  	s28 =	simm.s32 @!p0 $0x80;
	[sflag:s12] =	ssyncset.done $0x0  }
0x16: {  	s29 =	simm.s32 @!p0 $0x4E200;
	s30 =	simm.s32 @!p0 $0x4E00;
	[sflag:s12] =	ssyncadd.s32 $0xFFFFB200  }
0x17: {  	[tilespmem:s30], [sflag:$0x4] =	stream.strided.gather @!p0 [hbm4b:s7+s28], $0x100, s29, s28, $0x38;
	[tilespmem:$0x14F00] =	vst v63  }
0x18: {  	s28 =	simm.s32 @!p0 $0x4  }
0x19: {  	_ =	swait.ge @!p0 [sflag:s28], $0x100  }
0x1a: {  	[sflag:s28] =	ssyncset.done @!p0 $0x0  }
0x1b: {  	[sflag:s28] =	ssyncadd.s32 @!p0 $0xFFFFFF00  }
0x1c: {  	[spmem:s14], [sflag:s13] =	dma.local [hbm:s5], $0x1400  }
0x1d: {  	_ =	swait.ge [sflag:s12], $0x1400  }
0x1e: {  	[sflag:s12] =	ssyncset.done $0x0  }
0x1f: {  	[sflag:s12] =	ssyncadd.s32 $0xFFFFEC00  }
0x20: {  	[bflag:$0x0] =	sbarrier.arrive $0xFFFF  }
0x21: {  	[tilespmem:s16], [sflag:$0x1] =	stream.indirect.gather [hbm4b:s1+s15], $0x40, s4, s15, $0xb8;
	[tilespmem:$0x14F00] =	vst v63  }
0x22: {  	_ = 	snop  }
0x23: {  	[tilespmem:s17], [sflag:$0x2] =	stream.indirect.gather [hbm4b:s1+s15], $0x40, s15, s15, $0xb8;
	[tilespmem:$0x14F00] =	vst v63  }
0x24: {  	s28 =	simm.s32 $0x100  }
0x25: {  	[tilespmem:s18], [sflag:$0x3] =	stream.indirect.gather [hbm4b:s1+s15], $0x40, s28, s15, $0xb8;
	[tilespmem:$0x14F00] =	vst v63  }
0x26: {  	_ =	swait.ge [sflag:s19], $0x2000  }
0x27: {  	[sflag:s19] =	ssyncset.done $0x0  }
0x28: {  	s28 =	simm.s32 $0x2700;
	[sflag:s19] =	ssyncadd.s32 $0xFFFFE000  }
0x29: {  	[spmem:s3] =	stream.indirect.scatter.add.s16 [tilespmem:s16], [sflag:$0x4], $0x40, s28, s15, $0xb8;
	[tilespmem:$0x14F00] =	vst v63  }
0x2a: {  	_ =	swait.ge [sflag:s12], $0x2000  }
0x2b: {  	[sflag:s12] =	ssyncset.done $0x0  }
0x2c: {  	s28 =	simm.s32 $0x180;
	[sflag:s12] =	ssyncadd.s32 $0xFFFFE000  }
0x2d: {  	[tilespmem:s16], [sflag:$0x1] =	stream.indirect.gather [hbm4b:s1+s15], $0x40, s28, s15, $0xb8;
	[tilespmem:$0x14F00] =	vst v63  }
0x2e: {  	_ =	swait.ge [sflag:s20], $0x2000  }
0x2f: {  	[sflag:s20] =	ssyncset.done $0x0  }
0x30: {  	s28 =	simm.s32 $0x2780;
	[sflag:s20] =	ssyncadd.s32 $0xFFFFE000  }
0x31: {  	[spmem:s3] =	stream.indirect.scatter.add.s16 [tilespmem:s17], [sflag:$0x4], $0x40, s28, s15, $0xb8;
	[tilespmem:$0x14F00] =	vst v63  }
0x32: {  	_ =	swait.ge [sflag:s12], $0x2000  }
0x33: {  	[sflag:s12] =	ssyncset.done $0x0  }
0x34: {  	s28 =	simm.s32 $0x200;
	[sflag:s12] =	ssyncadd.s32 $0xFFFFE000  }
0x35: {  	[tilespmem:s17], [sflag:$0x2] =	stream.indirect.gather [hbm4b:s1+s15], $0x40, s28, s15, $0xb8;
	[tilespmem:$0x14F00] =	vst v63  }
0x36: {  	_ =	swait.ge [sflag:s21], $0x2000  }
0x37: {  	[sflag:s21] =	ssyncset.done $0x0  }
0x38: {  	s28 =	simm.s32 $0x2800;
	[sflag:s21] =	ssyncadd.s32 $0xFFFFE000  }
0x39: {  	[spmem:s3] =	stream.indirect.scatter.add.s16 [tilespmem:s18], [sflag:$0x4], $0x40, s28, s15, $0xb8;
	[tilespmem:$0x14F00] =	vst v63  }
0x3a: {  	_ =	swait.ge [sflag:s12], $0x2000  }
0x3b: {  	s29 =	simm.s32 $0xC00;
	s28 =	simm.s32 $0x180;
	[sflag:s12] =	ssyncset.done $0x0  }
.LBB2_2:
0x3c: {  	s30 =	sadd.s32 $0x100, s28  }
0x3d: {  	[sflag:s12] =	ssyncadd.s32 $0xFFFFE000;
	s31 =	smov.u32 s29;
	s2 =	sadd.s32 $0x600, s29  }
0x3e: {  	[tilespmem:s18], [sflag:$0x3] =	stream.indirect.gather [hbm4b:s1+s15], $0x40, s30, s15, $0xb8;
	[tilespmem:$0x14F00] =	vst v63  }
0x3f: {  	p1 =	sne.s32 s29, $0x9000;
	_ =	swait.ge [sflag:s19], $0x2000  }
0x40: {  	[sflag:s19] =	ssyncset.done $0x0  }
0x41: {  	s29 =	sadd.s32 $0x2700, s28;
	[sflag:s19] =	ssyncadd.s32 $0xFFFFE000  }
0x42: {  	[spmem:s3] =	stream.indirect.scatter.add.s16 [tilespmem:s16], [sflag:$0x4], $0x40, s29, s15, $0xb8;
	[tilespmem:$0x14F00] =	vst v63  }
0x43: {  	_ =	swait.ge [sflag:s12], $0x2000  }
0x44: {  	[sflag:s12] =	ssyncset.done $0x0  }
0x45: {  	s29 =	sadd.s32 $0x180, s28;
	[sflag:s12] =	ssyncadd.s32 $0xFFFFE000  }
0x46: {  	[tilespmem:s16], [sflag:$0x1] =	stream.indirect.gather [hbm4b:s1+s15], $0x40, s29, s15, $0xb8;
	[tilespmem:$0x14F00] =	vst v63  }
0x47: {  	_ =	swait.ge [sflag:s20], $0x2000  }
0x48: {  	[sflag:s20] =	ssyncset.done $0x0  }
0x49: {  	s29 =	sadd.s32 $0x2780, s28;
	[sflag:s20] =	ssyncadd.s32 $0xFFFFE000  }
0x4a: {  	[spmem:s3] =	stream.indirect.scatter.add.s16 [tilespmem:s17], [sflag:$0x4], $0x40, s29, s15, $0xb8;
	[tilespmem:$0x14F00] =	vst v63  }
0x4b: {  	_ =	swait.ge [sflag:s12], $0x2000  }
0x4c: {  	[sflag:s12] =	ssyncset.done $0x0  }
0x4d: {  	s29 =	sadd.s32 $0x200, s28;
	[sflag:s12] =	ssyncadd.s32 $0xFFFFE000  }
0x4e: {  	[tilespmem:s17], [sflag:$0x2] =	stream.indirect.gather [hbm4b:s1+s15], $0x40, s29, s15, $0xb8;
	[tilespmem:$0x14F00] =	vst v63  }
0x4f: {  	_ =	swait.ge [sflag:s21], $0x2000  }
.Ltmp0:
0x50: {  	[sflag:s21] =	ssyncset.done $0x0;
	(pc) =	sbr.rel @p1 .LBB2_2-.Ltmp0, $4  }
0x51: {  	s28 =	sadd.s32 $0x2800, s28;
	[sflag:s21] =	ssyncadd.s32 $0xFFFFE000  }
0x52: {  	[spmem:s3] =	stream.indirect.scatter.add.s16 [tilespmem:s18], [sflag:$0x4], $0x40, s28, s15, $0xb8;
	[tilespmem:$0x14F00] =	vst v63  }
0x53: {  	_ =	swait.ge [sflag:s12], $0x2000  }
0x54: {  	s29 =	smov.u32 s2;
	s28 =	sshra.s32 s31, $0x2;
	[sflag:s12] =	ssyncset.done $0x0  }
0x55: {  	s2 =	sadd.s32 $0x100, s28;
	[sflag:s12] =	ssyncadd.s32 $0xFFFFE000  }
0x56: {  	[tilespmem:s18], [sflag:$0x3] =	stream.indirect.gather [hbm4b:s1+s15], $0x40, s2, s15, $0xb8;
	[tilespmem:$0x14F00] =	vst v63  }
0x57: {  	_ =	swait.ge [sflag:s19], $0x2000  }
0x58: {  	[sflag:s19] =	ssyncset.done $0x0  }
0x59: {  	s30 =	sadd.s32 $0x2700, s28;
	[sflag:s19] =	ssyncadd.s32 $0xFFFFE000  }
0x5a: {  	[spmem:s3] =	stream.indirect.scatter.add.s16 [tilespmem:s16], [sflag:$0x4], $0x40, s30, s15, $0xb8;
	[tilespmem:$0x14F00] =	vst v63  }
0x5b: {  	_ =	swait.ge [sflag:s12], $0x2000  }
0x5c: {  	[sflag:s12] =	ssyncset.done $0x0  }
0x5d: {  	s31 =	sadd.s32 $0x180, s28;
	[sflag:s12] =	ssyncadd.s32 $0xFFFFE000  }
0x5e: {  	[tilespmem:s16], [sflag:$0x1] =	stream.indirect.gather [hbm4b:s1+s15], $0x40, s31, s15, $0xb8;
	[tilespmem:$0x14F00] =	vst v63  }
0x5f: {  	_ =	swait.ge [sflag:s20], $0x2000  }
0x60: {  	[sflag:s20] =	ssyncset.done $0x0  }
0x61: {  	s29 =	sadd.s32 $0x2780, s28;
	[sflag:s20] =	ssyncadd.s32 $0xFFFFE000  }
0x62: {  	[spmem:s3] =	stream.indirect.scatter.add.s16 [tilespmem:s17], [sflag:$0x4], $0x40, s29, s15, $0xb8;
	[tilespmem:$0x14F00] =	vst v63  }
0x63: {  	_ =	swait.ge [sflag:s12], $0x2000  }
0x64: {  	[sflag:s12] =	ssyncset.done $0x0  }
0x65: {  	s30 =	sadd.s32 $0x200, s28;
	[sflag:s12] =	ssyncadd.s32 $0xFFFFE000  }
0x66: {  	[tilespmem:s17], [sflag:$0x2] =	stream.indirect.gather [hbm4b:s1+s15], $0x40, s30, s15, $0xb8;
	[tilespmem:$0x14F00] =	vst v63  }
0x67: {  	_ =	swait.ge [sflag:s21], $0x2000  }
0x68: {  	[sflag:s21] =	ssyncset.done $0x0  }
0x69: {  	s31 =	sadd.s32 $0x2800, s28;
	[sflag:s21] =	ssyncadd.s32 $0xFFFFE000  }
0x6a: {  	[spmem:s3] =	stream.indirect.scatter.add.s16 [tilespmem:s18], [sflag:$0x4], $0x40, s31, s15, $0xb8;
	[tilespmem:$0x14F00] =	vst v63  }
0x6b: {  	_ =	swait.ge [sflag:s12], $0x2000  }
0x6c: {  	[sflag:s12] =	ssyncset.done $0x0  }
0x6d: {  	[sflag:s12] =	ssyncadd.s32 $0xFFFFE000  }
0x6e: {  	[tilespmem:s18], [sflag:$0x3] =	stream.indirect.gather [hbm4b:s1+s15], $0x40, s22, s15, $0xb8;
	[tilespmem:$0x14F00] =	vst v63  }
0x6f: {  	_ =	swait.ge [sflag:s19], $0x2000  }
0x70: {  	[sflag:s19] =	ssyncset.done $0x0  }
0x71: {  	[sflag:s19] =	ssyncadd.s32 $0xFFFFE000  }
0x72: {  	[spmem:s3] =	stream.indirect.scatter.add.s16 [tilespmem:s16], [sflag:$0x4], $0x40, s23, s15, $0xb8;
	[tilespmem:$0x14F00] =	vst v63  }
0x73: {  	_ =	swait.ge [sflag:s12], $0x2000  }
0x74: {  	[sflag:s12] =	ssyncset.done $0x0  }
0x75: {  	[sflag:s12] =	ssyncadd.s32 $0xFFFFE000  }
0x76: {  	_ =	swait.ge [sflag:s20], $0x2000  }
0x77: {  	[sflag:s20] =	ssyncset.done $0x0  }
0x78: {  	[sflag:s20] =	ssyncadd.s32 $0xFFFFE000  }
0x79: {  	[spmem:s3] =	stream.indirect.scatter.add.s16 [tilespmem:s17], [sflag:$0x4], $0x40, s24, s15, $0xb8;
	[tilespmem:$0x14F00] =	vst v63  }
0x7a: {  	_ =	swait.ge [sflag:s12], $0x2000  }
0x7b: {  	[sflag:s12] =	ssyncset.done $0x0  }
0x7c: {  	[sflag:s12] =	ssyncadd.s32 $0xFFFFE000  }
0x7d: {  	_ =	swait.ge [sflag:s21], $0x2000  }
0x7e: {  	[sflag:s21] =	ssyncset.done $0x0  }
0x7f: {  	[sflag:s21] =	ssyncadd.s32 $0xFFFFE000  }
0x80: {  	[spmem:s3] =	stream.indirect.scatter.add.s16 [tilespmem:s18], [sflag:$0x4], $0x40, s25, s15, $0xb8;
	[tilespmem:$0x14F00] =	vst v63  }
0x81: {  	_ =	swait.ge [sflag:s12], $0x2000  }
0x82: {  	s2 =	simm.s32 @!p0 $0x80;
	[sflag:s12] =	ssyncset.done $0x0  }
0x83: {  	s28 =	simm.s32 @!p0 $0x4E00;
	s29 =	simm.s32 @!p0 $0x4F00;
	[sflag:s12] =	ssyncadd.s32 $0xFFFFE000  }
0x84: {  	[tilespmem:s29], [sflag:$0x1] =	stream.indirect.gather @!p0 [hbm4b:s1+s2], $0x40, s28, s2, $0xb8;
	[tilespmem:$0x14F00] =	vst v63  }
0x85: {  	s28 =	simm.s32 @!p0 $0x1  }
0x86: {  	_ =	swait.ge @!p0 [sflag:s28], $0x2000  }
0x87: {  	[sflag:s28] =	ssyncset.done @!p0 $0x0  }
0x88: {  	[sflag:s28] =	ssyncadd.s32 @!p0 $0xFFFFE000;
	s28 =	simm.s32 @!p0 $0x4E80  }
0x89: {  	[spmem:s3] =	stream.indirect.scatter.add.s16 @!p0 [tilespmem:s29], [sflag:$0x4], $0x40, s28, s2, $0xb8;
	[tilespmem:$0x14F00] =	vst v63  }
0x8a: {  	s2 =	simm.s32 @!p0 $0x4  }
0x8b: {  	_ =	swait.ge @!p0 [sflag:s2], $0x2000  }
0x8c: {  	s26 =	sadd.s32 $0x1, s26;
	[sflag:s2] =	ssyncset.done @!p0 $0x0  }
0x8d: {  	p1 =	sne.s32 s26, s9;
	[sflag:s2] =	ssyncadd.s32 @!p0 $0xFFFFE000  }
.Ltmp1:
0x8e: {  	[bflag:$0x0] =	sbarrier.arrive $0xFFFF;
	(pc) =	sbr.rel @p1 .LBB2_1-.Ltmp1, $4  }
0x8f: {  	[hbm:s8], [sflag:s13] =	dma.local [spmem:s14], $0x1400  }
0x90: {  	_ =	swait.ge [sflag:s12], $0x1400  }
0x91: {  	[sflag:s12] =	ssyncset.done $0x0  }
0x92: {  	[sflag:s12] =	ssyncadd.s32 $0xFFFFEC00  }
0x93: {  	_ =	sfence.sel $0x180000  }
0x94: {  	[bflag:$0x0] =	sbarrier.arrive $0xFFFF  }
0x95: {  	_ =	strace $0x9000004A  }
0x96: {  	[bflag:$0x2] =	sbarrier.arrive $0xFFFF  }
0x97: {  	p0 =	sne.s32 s0, $0x0;
	s0 =	rddreg [dreg:$0x3]  }
0x98: {  	s0 =	sadd.s32 @!p0 $0x100000, s0  }
0x99: {  	[sflag:s0] =	ssyncadd.tile.s32 @!p0 $0x1;
	_ =	shalt  }
.Lfunc_end2:
_tile_overlayer_lowered:
.L_overlay_start_2:
0x9a: {  	(tag) =	ssettag $0x2  }
0x9b: {  	s0 =	rddreg [dreg:$0x0];
	s2 =	stileid.u32  }
0x9c: {  	s1 =	rddreg [dreg:$0x1];
	p0 =	sne.s32 s2, $0x0  }
0x9d: {  	s3 =	rddreg [dreg:$0x2];
	[bflag:$0x3] =	sbarrier.arrive $0xFFFF;
	s2 =	simm.s32 @!p0 $0x1C04  }
0x9e: {  	[timem:s3], [sflag:s2] =	dma.local @!p0 [hbm:s0], s1  }
0x9f: {  	s0 =	simm.s32 @!p0 $0x4  }
0xa0: {  	_ =	swait.ge @!p0 [sflag:s0], s1  }
0xa1: {  	s1 =	ssub.s32 @!p0 $0x0, s1;
	[sflag:s0] =	ssyncset.done @!p0 $0x0  }
0xa2: {  	[sflag:s0] =	ssyncadd.s32 @!p0 s1  }
0xa3: {  	[bflag:$0x3] =	sbarrier.arrive $0xFFFF  }
0xa4: {  	_ =	shalt  }

</sc_bundles>
